<compile_context>
chip_gen: v7x
topology: tpu7x:2x2x1
jax: 0.10.2.dev20260603
libtpu: 0.0.44.dev20260713+nightly
codegen_flags: <defaults>
</compile_context>

<pallas_src>
import jax
import jax.numpy as jnp
from jax import lax
from jax.experimental import pallas as pl
from jax.experimental.pallas import tpu as pltpu
from jax.experimental.pallas import tpu_sc as plsc

N_NODES = 10000
N_EDGES = 320000
NC = 2
NS = 16
NW = NC * NS
L = 16

HP = 10240
ZCH = HP // NS
E_SC = N_EDGES // NS
E_W = N_EDGES // NW
E_SC_PAD = E_SC + 96
E_W_PAD = E_W + 112
UZ = 10
UA = 10
UG = 5


def _body(pos_hbm, tail_hbm, out_hbm, pidx_v, tidx_v, hist_v, out_v,
          chunk_v, stage_sh, hist_sh, sem, sem2):
    core = lax.axis_index("c")
    sub = lax.axis_index("s")
    wid = sub * NC + core

    ones = jnp.ones((L,), jnp.float32)
    zeros = jnp.zeros((L,), jnp.float32)

    p_col = pl.multiple_of((sub * E_SC) // 128 * 128, 128)
    p_off = sub * E_SC - p_col
    load_pidx = pltpu.async_copy(
        pos_hbm.at[:, pl.ds(p_col, E_SC_PAD)], pidx_v, sem)

    def zero_step(j, _):
        base = j * (L * UZ)
        for u in range(UZ):
            hist_v[pl.ds(base + u * L, L)] = zeros
        return 0

    with jax.named_scope("ph0_zero_load"):
        lax.fori_loop(0, HP // (L * UZ), zero_step, 0)
        load_pidx.wait()

    load_tidx = pltpu.async_copy(
        tail_hbm.at[pl.ds(N_EDGES + wid * E_W, E_W)], tidx_v, sem2)

    def add_step(i, _):
        base = p_off + i * (L * UA)
        for u in range(UA):
            idx = pidx_v[1, pl.ds(base + u * L, L)]
            plsc.addupdate_scatter(hist_v, [idx], ones)
        return 0

    with jax.named_scope("ph1_add"):
        lax.fori_loop(0, E_SC // (L * UA), add_step, 0)

    with jax.named_scope("ph2_merge"):
        pltpu.sync_copy(hist_v, stage_sh.at[sub])
        plsc.subcore_barrier()

        fetch = [
            pltpu.async_copy(stage_sh.at[t, pl.ds(sub * ZCH, ZCH)],
                             chunk_v.at[t], sem)
            for t in range(NS)
        ]
        for d in fetch:
            d.wait()

        def red_step(j, _):
            acc = chunk_v[0, pl.ds(j * L, L)]
            for t in range(1, NS):
                acc = acc + chunk_v[t, pl.ds(j * L, L)]
            hist_v[pl.ds(j * L, L)] = acc
            return 0

        lax.fori_loop(0, ZCH // L, red_step, 0)

        pltpu.sync_copy(hist_v.at[pl.ds(0, ZCH)],
                        hist_sh.at[pl.ds(sub * ZCH, ZCH)])
        plsc.subcore_barrier()

    with jax.named_scope("ph3_gather"):
        pltpu.sync_copy(hist_sh, hist_v)
        load_tidx.wait()

        def gather_step(i, _):
            base = i * (L * UG)
            for u in range(UG):
                idx = tidx_v[pl.ds(base + u * L, L)]
                out_v[pl.ds(base + u * L, L)] = plsc.load_gather(hist_v, [idx])
            return 0

        lax.fori_loop(0, E_W // (L * UG), gather_step, 0)

        pltpu.sync_copy(out_v, out_hbm.at[pl.ds(wid * E_W, E_W)])


_sc_kernel = pl.kernel(
    _body,
    out_type=jax.ShapeDtypeStruct((N_EDGES,), jnp.float32),
    mesh=plsc.VectorSubcoreMesh(core_axis_name="c", subcore_axis_name="s"),
    compiler_params=pltpu.CompilerParams(needs_layout_passes=False),
    scratch_types=[
        pltpu.VMEM((2, E_SC_PAD), jnp.int32),
        pltpu.VMEM((E_W,), jnp.int32),
        pltpu.VMEM((HP,), jnp.float32),
        pltpu.VMEM((E_W,), jnp.float32),
        pltpu.VMEM((NS, ZCH), jnp.float32),
        pltpu.VMEM_SHARED((NS, HP), jnp.float32),
        pltpu.VMEM_SHARED((HP,), jnp.float32),
        pltpu.SemaphoreType.DMA,
        pltpu.SemaphoreType.DMA,
    ],
)


@jax.jit
def kernel(z, edge_index, pos_edge_index):
    del z
    return _sc_kernel(pos_edge_index.astype(jnp.int32),
                      edge_index.astype(jnp.int32).reshape(-1))

# --- scband reference (transcript-rebuilt; emitter-appended) ---
"""Pipeline reference for scband-degree-sorter-9526237462976 (READ-ONLY COPY).

The authoritative reference and input builder live on the scoring server;
editing this copy changes nothing except your own understanding.
"""

import jax, jax.numpy as jnp
import numpy as np

N_NODES = 10000
N_EDGES = 320000
D_FEAT = 128

def setup_inputs(seed: int = 0) -> dict:
    key = jax.random.key(seed)
    k1, k2, k3 = jax.random.split(key, 3)
    z = jax.random.normal(k1, (N_NODES, D_FEAT), dtype=jnp.float32)
    edge_index = jax.random.randint(k2, (2, N_EDGES), 0, N_NODES, dtype=jnp.int64)
    pos_edge_index = jax.random.randint(k3, (2, N_EDGES), 0, N_NODES, dtype=jnp.int64)
    return {"z": z, "edge_index": edge_index, "pos_edge_index": pos_edge_index}

def reference(z, edge_index, pos_edge_index):
    # degree(pos_edge_index[1], num_nodes=z.shape[0]) -> float32 histogram (bincount)
    num_nodes = z.shape[0]
    tail_nodes = edge_index[1, :]
    degrees = jnp.bincount(pos_edge_index[1, :], length=num_nodes).astype(jnp.float32)
    # gather degrees at tail nodes
    return jnp.take(degrees, tail_nodes, axis=0)

if __name__ == "__main__":
    import jax
    _d = setup_inputs()
    print(jax.jit(kernel)(*tuple(_d.values())))

</pallas_src>

<mosaic_0001>
#map = affine_map<(d0, d1) -> (0, 0)>
#map1 = affine_map<(d0, d1) -> (0)>
module attributes {stable_mosaic.version = 14 : i64} {
  func.func @_body(%arg0: i32, %arg1: i32, %arg2: memref<2x320000xi32, #tpu.memory_space<hbm>>, %arg3: memref<640000xi32, #tpu.memory_space<hbm>>, %arg4: memref<320000xf32, #tpu.memory_space<hbm>>, %arg5: memref<2x20096xi32, #tpu.memory_space<vmem>>, %arg6: memref<10000xi32, #tpu.memory_space<vmem>>, %arg7: memref<10240xf32, #tpu.memory_space<vmem>>, %arg8: memref<10000xf32, #tpu.memory_space<vmem>>, %arg9: memref<16x640xf32, #tpu.memory_space<vmem>>, %arg10: memref<16x10240xf32, #tpu.memory_space<vmem_shared>>, %arg11: memref<10240xf32, #tpu.memory_space<vmem_shared>>, %arg12: memref<!tpu.dma_semaphore, #tpu.memory_space<semaphore_mem>>, %arg13: memref<!tpu.dma_semaphore, #tpu.memory_space<semaphore_mem>>) attributes {dimension_semantics = [#tpu.dimension_semantics<core_parallel>, #tpu.dimension_semantics<subcore_parallel>], iteration_bounds = array<i64: 2, 16>, scalar_prefetch = 0 : i64, scratch_operands = 9 : i64, tpu.core_type = #tpu.core_type<sc_vector_subcore>, window_params = [{transform_indices = #map}, {transform_indices = #map1}, {transform_indices = #map1}]} {
    %mul3A = arith.constant 2 : i32
    %mul3A_0 = arith.muli %arg1, %mul3A : i32
    %add3A = arith.addi %mul3A_0, %arg0 : i32
    %broadcast_in_dim3A = arith.constant 1.000000e+00 : f32
    %broadcast_in_dim3A_1 = vector.broadcast %broadcast_in_dim3A : f32 to vector<16xf32>
    %broadcast_in_dim3A_2 = arith.constant 0.000000e+00 : f32
    %broadcast_in_dim3A_3 = vector.broadcast %broadcast_in_dim3A_2 : f32 to vector<16xf32>
    %mul3A_4 = arith.constant 20000 : i32
    %mul3A_5 = arith.muli %arg1, %mul3A_4 : i32
    %jit3A = arith.constant 128 : i32
    %div3A = arith.divsi %mul3A_5, %jit3A : i32
    %sign3A = arith.constant 0 : i32
    %sign3A_6 = arith.cmpi sgt, %mul3A_5, %sign3A : i32
    %sign3A_7 = arith.extui %sign3A_6 : i1 to i32
    %sign3A_8 = arith.constant 0 : i32
    %sign3A_9 = arith.cmpi slt, %mul3A_5, %sign3A_8 : i32
    %sign3A_10 = arith.extui %sign3A_9 : i1 to i32
    %sign3A_11 = arith.subi %sign3A_7, %sign3A_10 : i32
    %sign3A_12 = arith.constant 0 : i32
    %sign3A_13 = arith.cmpi sgt, %jit3A, %sign3A_12 : i32
    %sign3A_14 = arith.extui %sign3A_13 : i1 to i32
    %sign3A_15 = arith.constant 0 : i32
    %sign3A_16 = arith.cmpi slt, %jit3A, %sign3A_15 : i32
    %sign3A_17 = arith.extui %sign3A_16 : i1 to i32
    %sign3A_18 = arith.subi %sign3A_14, %sign3A_17 : i32
    %ne3A = arith.cmpi ne, %sign3A_11, %sign3A_18 : i32
    %rem3A = arith.remsi %mul3A_5, %jit3A : i32
    %ne3A_19 = arith.constant 0 : i32
    %ne3A_20 = arith.cmpi ne, %rem3A, %ne3A_19 : i32
    %and3A = arith.andi %ne3A, %ne3A_20 : i1
    %sub3A = arith.constant 1 : i32
    %sub3A_21 = arith.subi %div3A, %sub3A : i32
    %select_n3A = arith.select %and3A, %sub3A_21, %div3A : i32
    %mul3A_22 = arith.constant 128 : i32
    %mul3A_23 = arith.muli %select_n3A, %mul3A_22 : i32
    %multiple_of3A = tpu.assume_multiple %mul3A_23, 128 : i32
    %mul3A_24 = arith.constant 20000 : i32
    %mul3A_25 = arith.muli %arg1, %mul3A_24 : i32
    %sub3A_26 = arith.subi %mul3A_25, %multiple_of3A : i32
    %dma_start3A = arith.constant 0 : i32
    %dma_start3A_27 = tpu.memref_slice %arg2[%dma_start3A, %multiple_of3A] : memref<2x320000xi32, #tpu.memory_space<hbm>> -> memref<2x20096xi32, #tpu.memory_space<hbm>>
    %dma_start3A_28 = arith.constant 0 : i32
    %dma_start3A_29 = tpu.memref_slice %arg2[%dma_start3A_28, %multiple_of3A] : memref<2x320000xi32, #tpu.memory_space<hbm>> -> memref<2x20096xi32, #tpu.memory_space<hbm>>
    tpu.enqueue_dma source(%dma_start3A_29 : memref<2x20096xi32, #tpu.memory_space<hbm>>) target(%arg5 : memref<2x20096xi32, #tpu.memory_space<vmem>>) target_semaphore(%arg12 : memref<!tpu.dma_semaphore, #tpu.memory_space<semaphore_mem>>)
    "tpu.trace_start"() <{level = 10 : i32, message = "ph0_zero_load"}> : () -> ()
    %scan3A = arith.constant 0 : i32
    %scan3A_30 = arith.constant 0 : i32
    %scan3A_31 = arith.constant 64 : i32
    %scan3A_32 = arith.addi %scan3A_30, %scan3A_31 : i32
    %scan3A_33 = arith.constant 1 : i32
    %scan3A_34 = scf.for %scan3A_489 = %scan3A_30 to %scan3A_32 step %scan3A_33 iter_args(%scan3A_490 = %scan3A) -> (i32)  : i32 {
      %mul3A_491 = arith.constant 160 : i32
      %mul3A_492 = arith.muli %scan3A_489, %mul3A_491 : i32
      %add3A_493 = arith.constant 0 : i32
      %add3A_494 = arith.addi %mul3A_492, %add3A_493 : i32
      %swap3A = arith.index_cast %add3A_494 : i32 to index
      %swap3A_495 = tpu.vector_load %arg7[%swap3A] {strides = array<i32>} : memref<10240xf32, #tpu.memory_space<vmem>>, vector<16xf32>,
      tpu.vector_store %arg7[%swap3A], %broadcast_in_dim3A_3 {strides = array<i32>} : memref<10240xf32, #tpu.memory_space<vmem>>, vector<16xf32>,
      %add3A_496 = arith.constant 16 : i32
      %add3A_497 = arith.addi %mul3A_492, %add3A_496 : i32
      %swap3A_498 = arith.index_cast %add3A_497 : i32 to index
      %swap3A_499 = tpu.vector_load %arg7[%swap3A_498] {strides = array<i32>} : memref<10240xf32, #tpu.memory_space<vmem>>, vector<16xf32>,
      tpu.vector_store %arg7[%swap3A_498], %broadcast_in_dim3A_3 {strides = array<i32>} : memref<10240xf32, #tpu.memory_space<vmem>>, vector<16xf32>,
      %add3A_500 = arith.constant 32 : i32
      %add3A_501 = arith.addi %mul3A_492, %add3A_500 : i32
      %swap3A_502 = arith.index_cast %add3A_501 : i32 to index
      %swap3A_503 = tpu.vector_load %arg7[%swap3A_502] {strides = array<i32>} : memref<10240xf32, #tpu.memory_space<vmem>>, vector<16xf32>,
      tpu.vector_store %arg7[%swap3A_502], %broadcast_in_dim3A_3 {strides = array<i32>} : memref<10240xf32, #tpu.memory_space<vmem>>, vector<16xf32>,
      %add3A_504 = arith.constant 48 : i32
      %add3A_505 = arith.addi %mul3A_492, %add3A_504 : i32
      %swap3A_506 = arith.index_cast %add3A_505 : i32 to index
      %swap3A_507 = tpu.vector_load %arg7[%swap3A_506] {strides = array<i32>} : memref<10240xf32, #tpu.memory_space<vmem>>, vector<16xf32>,
      tpu.vector_store %arg7[%swap3A_506], %broadcast_in_dim3A_3 {strides = array<i32>} : memref<10240xf32, #tpu.memory_space<vmem>>, vector<16xf32>,
      %add3A_508 = arith.constant 64 : i32
      %add3A_509 = arith.addi %mul3A_492, %add3A_508 : i32
      %swap3A_510 = arith.index_cast %add3A_509 : i32 to index
      %swap3A_511 = tpu.vector_load %arg7[%swap3A_510] {strides = array<i32>} : memref<10240xf32, #tpu.memory_space<vmem>>, vector<16xf32>,
      tpu.vector_store %arg7[%swap3A_510], %broadcast_in_dim3A_3 {strides = array<i32>} : memref<10240xf32, #tpu.memory_space<vmem>>, vector<16xf32>,
      %add3A_512 = arith.constant 80 : i32
      %add3A_513 = arith.addi %mul3A_492, %add3A_512 : i32
      %swap3A_514 = arith.index_cast %add3A_513 : i32 to index
      %swap3A_515 = tpu.vector_load %arg7[%swap3A_514] {strides = array<i32>} : memref<10240xf32, #tpu.memory_space<vmem>>, vector<16xf32>,
      tpu.vector_store %arg7[%swap3A_514], %broadcast_in_dim3A_3 {strides = array<i32>} : memref<10240xf32, #tpu.memory_space<vmem>>, vector<16xf32>,
      %add3A_516 = arith.constant 96 : i32
      %add3A_517 = arith.addi %mul3A_492, %add3A_516 : i32
      %swap3A_518 = arith.index_cast %add3A_517 : i32 to index
      %swap3A_519 = tpu.vector_load %arg7[%swap3A_518] {strides = array<i32>} : memref<10240xf32, #tpu.memory_space<vmem>>, vector<16xf32>,
      tpu.vector_store %arg7[%swap3A_518], %broadcast_in_dim3A_3 {strides = array<i32>} : memref<10240xf32, #tpu.memory_space<vmem>>, vector<16xf32>,
      %add3A_520 = arith.constant 112 : i32
      %add3A_521 = arith.addi %mul3A_492, %add3A_520 : i32
      %swap3A_522 = arith.index_cast %add3A_521 : i32 to index
      %swap3A_523 = tpu.vector_load %arg7[%swap3A_522] {strides = array<i32>} : memref<10240xf32, #tpu.memory_space<vmem>>, vector<16xf32>,
      tpu.vector_store %arg7[%swap3A_522], %broadcast_in_dim3A_3 {strides = array<i32>} : memref<10240xf32, #tpu.memory_space<vmem>>, vector<16xf32>,
      %add3A_524 = arith.constant 128 : i32
      %add3A_525 = arith.addi %mul3A_492, %add3A_524 : i32
      %swap3A_526 = arith.index_cast %add3A_525 : i32 to index
      %swap3A_527 = tpu.vector_load %arg7[%swap3A_526] {strides = array<i32>} : memref<10240xf32, #tpu.memory_space<vmem>>, vector<16xf32>,
      tpu.vector_store %arg7[%swap3A_526], %broadcast_in_dim3A_3 {strides = array<i32>} : memref<10240xf32, #tpu.memory_space<vmem>>, vector<16xf32>,
      %add3A_528 = arith.constant 144 : i32
      %add3A_529 = arith.addi %mul3A_492, %add3A_528 : i32
      %swap3A_530 = arith.index_cast %add3A_529 : i32 to index
      %swap3A_531 = tpu.vector_load %arg7[%swap3A_530] {strides = array<i32>} : memref<10240xf32, #tpu.memory_space<vmem>>, vector<16xf32>,
      tpu.vector_store %arg7[%swap3A_530], %broadcast_in_dim3A_3 {strides = array<i32>} : memref<10240xf32, #tpu.memory_space<vmem>>, vector<16xf32>,
      %scan3A_532 = arith.constant 0 : i32
      scf.yield %scan3A_532 : i32
    }
    %scan3A_35 = arith.constant 64 : i32
    %dma_wait3A = arith.constant 0 : i32
    %dma_wait3A_36 = tpu.memref_slice %arg2[%dma_wait3A, %multiple_of3A] : memref<2x320000xi32, #tpu.memory_space<hbm>> -> memref<2x20096xi32, #tpu.memory_space<hbm>>
    %dma_wait3A_37 = arith.constant 0 : i32
    %dma_wait3A_38 = tpu.memref_slice %arg2[%dma_wait3A_37, %multiple_of3A] : memref<2x320000xi32, #tpu.memory_space<hbm>> -> memref<2x20096xi32, #tpu.memory_space<hbm>>
    tpu.wait_dma2 semaphore(%arg12 : memref<!tpu.dma_semaphore, #tpu.memory_space<semaphore_mem>>) src(%dma_wait3A_38 : memref<2x20096xi32, #tpu.memory_space<hbm>>) dst(%arg5 : memref<2x20096xi32, #tpu.memory_space<vmem>>)
    "tpu.trace_stop"() : () -> ()
    %mul3A_39 = arith.constant 10000 : i32
    %mul3A_40 = arith.muli %add3A, %mul3A_39 : i32
    %add3A_41 = arith.constant 320000 : i32
    %add3A_42 = arith.addi %add3A_41, %mul3A_40 : i32
    %dma_start3A_43 = tpu.memref_slice %arg3[%add3A_42] : memref<640000xi32, #tpu.memory_space<hbm>> -> memref<10000xi32, #tpu.memory_space<hbm>>
    %dma_start3A_44 = tpu.memref_slice %arg3[%add3A_42] : memref<640000xi32, #tpu.memory_space<hbm>> -> memref<10000xi32, #tpu.memory_space<hbm>>
    tpu.enqueue_dma source(%dma_start3A_44 : memref<10000xi32, #tpu.memory_space<hbm>>) target(%arg6 : memref<10000xi32, #tpu.memory_space<vmem>>) target_semaphore(%arg13 : memref<!tpu.dma_semaphore, #tpu.memory_space<semaphore_mem>>)
    "tpu.trace_start"() <{level = 10 : i32, message = "ph1_add"}> : () -> ()
    %scan3A_45 = arith.constant 0 : i32
    %scan3A_46 = arith.constant 0 : i32
    %scan3A_47 = arith.constant 125 : i32
    %scan3A_48 = arith.addi %scan3A_46, %scan3A_47 : i32
    %scan3A_49 = arith.constant 1 : i32
    %scan3A_50 = scf.for %scan3A_489 = %scan3A_46 to %scan3A_48 step %scan3A_49 iter_args(%scan3A_490 = %scan3A_45) -> (i32)  : i32 {
      %mul3A_491 = arith.constant 160 : i32
      %mul3A_492 = arith.muli %scan3A_489, %mul3A_491 : i32
      %add3A_493 = arith.addi %sub3A_26, %mul3A_492 : i32
      %add3A_494 = arith.constant 0 : i32
      %add3A_495 = arith.addi %add3A_493, %add3A_494 : i32
      %get3A = arith.constant 1 : i32
      %get3A_496 = arith.index_cast %get3A : i32 to index
      %get3A_497 = arith.index_cast %add3A_495 : i32 to index
      %get3A_498 = tpu.vector_load %arg5[%get3A_496, %get3A_497] {strides = array<i32>} : memref<2x20096xi32, #tpu.memory_space<vmem>>, vector<16xi32>,
      tpu.vector_store_idx %arg7[%get3A_498], %broadcast_in_dim3A_1 {add = true} : memref<10240xf32, #tpu.memory_space<vmem>>[vector<16xi32>], vector<16xf32>,
      %add3A_499 = arith.constant 16 : i32
      %add3A_500 = arith.addi %add3A_493, %add3A_499 : i32
      %get3A_501 = arith.constant 1 : i32
      %get3A_502 = arith.index_cast %get3A_501 : i32 to index
      %get3A_503 = arith.index_cast %add3A_500 : i32 to index
      %get3A_504 = tpu.vector_load %arg5[%get3A_502, %get3A_503] {strides = array<i32>} : memref<2x20096xi32, #tpu.memory_space<vmem>>, vector<16xi32>,
      tpu.vector_store_idx %arg7[%get3A_504], %broadcast_in_dim3A_1 {add = true} : memref<10240xf32, #tpu.memory_space<vmem>>[vector<16xi32>], vector<16xf32>,
      %add3A_505 = arith.constant 32 : i32
      %add3A_506 = arith.addi %add3A_493, %add3A_505 : i32
      %get3A_507 = arith.constant 1 : i32
      %get3A_508 = arith.index_cast %get3A_507 : i32 to index
      %get3A_509 = arith.index_cast %add3A_506 : i32 to index
      %get3A_510 = tpu.vector_load %arg5[%get3A_508, %get3A_509] {strides = array<i32>} : memref<2x20096xi32, #tpu.memory_space<vmem>>, vector<16xi32>,
      tpu.vector_store_idx %arg7[%get3A_510], %broadcast_in_dim3A_1 {add = true} : memref<10240xf32, #tpu.memory_space<vmem>>[vector<16xi32>], vector<16xf32>,
      %add3A_511 = arith.constant 48 : i32
      %add3A_512 = arith.addi %add3A_493, %add3A_511 : i32
      %get3A_513 = arith.constant 1 : i32
      %get3A_514 = arith.index_cast %get3A_513 : i32 to index
      %get3A_515 = arith.index_cast %add3A_512 : i32 to index
      %get3A_516 = tpu.vector_load %arg5[%get3A_514, %get3A_515] {strides = array<i32>} : memref<2x20096xi32, #tpu.memory_space<vmem>>, vector<16xi32>,
      tpu.vector_store_idx %arg7[%get3A_516], %broadcast_in_dim3A_1 {add = true} : memref<10240xf32, #tpu.memory_space<vmem>>[vector<16xi32>], vector<16xf32>,
      %add3A_517 = arith.constant 64 : i32
      %add3A_518 = arith.addi %add3A_493, %add3A_517 : i32
      %get3A_519 = arith.constant 1 : i32
      %get3A_520 = arith.index_cast %get3A_519 : i32 to index
      %get3A_521 = arith.index_cast %add3A_518 : i32 to index
      %get3A_522 = tpu.vector_load %arg5[%get3A_520, %get3A_521] {strides = array<i32>} : memref<2x20096xi32, #tpu.memory_space<vmem>>, vector<16xi32>,
      tpu.vector_store_idx %arg7[%get3A_522], %broadcast_in_dim3A_1 {add = true} : memref<10240xf32, #tpu.memory_space<vmem>>[vector<16xi32>], vector<16xf32>,
      %add3A_523 = arith.constant 80 : i32
      %add3A_524 = arith.addi %add3A_493, %add3A_523 : i32
      %get3A_525 = arith.constant 1 : i32
      %get3A_526 = arith.index_cast %get3A_525 : i32 to index
      %get3A_527 = arith.index_cast %add3A_524 : i32 to index
      %get3A_528 = tpu.vector_load %arg5[%get3A_526, %get3A_527] {strides = array<i32>} : memref<2x20096xi32, #tpu.memory_space<vmem>>, vector<16xi32>,
      tpu.vector_store_idx %arg7[%get3A_528], %broadcast_in_dim3A_1 {add = true} : memref<10240xf32, #tpu.memory_space<vmem>>[vector<16xi32>], vector<16xf32>,
      %add3A_529 = arith.constant 96 : i32
      %add3A_530 = arith.addi %add3A_493, %add3A_529 : i32
      %get3A_531 = arith.constant 1 : i32
      %get3A_532 = arith.index_cast %get3A_531 : i32 to index
      %get3A_533 = arith.index_cast %add3A_530 : i32 to index
      %get3A_534 = tpu.vector_load %arg5[%get3A_532, %get3A_533] {strides = array<i32>} : memref<2x20096xi32, #tpu.memory_space<vmem>>, vector<16xi32>,
      tpu.vector_store_idx %arg7[%get3A_534], %broadcast_in_dim3A_1 {add = true} : memref<10240xf32, #tpu.memory_space<vmem>>[vector<16xi32>], vector<16xf32>,
      %add3A_535 = arith.constant 112 : i32
      %add3A_536 = arith.addi %add3A_493, %add3A_535 : i32
      %get3A_537 = arith.constant 1 : i32
      %get3A_538 = arith.index_cast %get3A_537 : i32 to index
      %get3A_539 = arith.index_cast %add3A_536 : i32 to index
      %get3A_540 = tpu.vector_load %arg5[%get3A_538, %get3A_539] {strides = array<i32>} : memref<2x20096xi32, #tpu.memory_space<vmem>>, vector<16xi32>,
      tpu.vector_store_idx %arg7[%get3A_540], %broadcast_in_dim3A_1 {add = true} : memref<10240xf32, #tpu.memory_space<vmem>>[vector<16xi32>], vector<16xf32>,
      %add3A_541 = arith.constant 128 : i32
      %add3A_542 = arith.addi %add3A_493, %add3A_541 : i32
      %get3A_543 = arith.constant 1 : i32
      %get3A_544 = arith.index_cast %get3A_543 : i32 to index
      %get3A_545 = arith.index_cast %add3A_542 : i32 to index
      %get3A_546 = tpu.vector_load %arg5[%get3A_544, %get3A_545] {strides = array<i32>} : memref<2x20096xi32, #tpu.memory_space<vmem>>, vector<16xi32>,
      tpu.vector_store_idx %arg7[%get3A_546], %broadcast_in_dim3A_1 {add = true} : memref<10240xf32, #tpu.memory_space<vmem>>[vector<16xi32>], vector<16xf32>,
      %add3A_547 = arith.constant 144 : i32
      %add3A_548 = arith.addi %add3A_493, %add3A_547 : i32
      %get3A_549 = arith.constant 1 : i32
      %get3A_550 = arith.index_cast %get3A_549 : i32 to index
      %get3A_551 = arith.index_cast %add3A_548 : i32 to index
      %get3A_552 = tpu.vector_load %arg5[%get3A_550, %get3A_551] {strides = array<i32>} : memref<2x20096xi32, #tpu.memory_space<vmem>>, vector<16xi32>,
      tpu.vector_store_idx %arg7[%get3A_552], %broadcast_in_dim3A_1 {add = true} : memref<10240xf32, #tpu.memory_space<vmem>>[vector<16xi32>], vector<16xf32>,
      %scan3A_553 = arith.constant 0 : i32
      scf.yield %scan3A_553 : i32
    }
    %scan3A_51 = arith.constant 125 : i32
    "tpu.trace_stop"() : () -> ()
    "tpu.trace_start"() <{level = 10 : i32, message = "ph2_merge"}> : () -> ()
    "tpu.region"() ({
      %run_scoped3A = tpu.sem_alloc : memref<!tpu.dma_semaphore, #tpu.memory_space<semaphore_mem>>
      %dma_start3A_489 = arith.constant 0 : i32
      %dma_start3A_490 = tpu.memref_slice %arg10[%arg1, %dma_start3A_489] : memref<16x10240xf32, #tpu.memory_space<vmem_shared>> -> memref<1x10240xf32, #tpu.memory_space<vmem_shared>>
      %dma_start3A_491 = tpu.memref_squeeze %dma_start3A_490 : memref<1x10240xf32, #tpu.memory_space<vmem_shared>> -> memref<10240xf32, #tpu.memory_space<vmem_shared>>
      %dma_start3A_492 = arith.constant 0 : i32
      %dma_start3A_493 = tpu.memref_slice %arg10[%arg1, %dma_start3A_492] : memref<16x10240xf32, #tpu.memory_space<vmem_shared>> -> memref<1x10240xf32, #tpu.memory_space<vmem_shared>>
      %dma_start3A_494 = tpu.memref_squeeze %dma_start3A_493 : memref<1x10240xf32, #tpu.memory_space<vmem_shared>> -> memref<10240xf32, #tpu.memory_space<vmem_shared>>
      tpu.enqueue_dma source(%arg7 : memref<10240xf32, #tpu.memory_space<vmem>>) target(%dma_start3A_494 : memref<10240xf32, #tpu.memory_space<vmem_shared>>) target_semaphore(%run_scoped3A : memref<!tpu.dma_semaphore, #tpu.memory_space<semaphore_mem>>)
      %dma_wait3A_495 = arith.constant 0 : i32
      %dma_wait3A_496 = tpu.memref_slice %arg10[%arg1, %dma_wait3A_495] : memref<16x10240xf32, #tpu.memory_space<vmem_shared>> -> memref<1x10240xf32, #tpu.memory_space<vmem_shared>>
      %dma_wait3A_497 = tpu.memref_squeeze %dma_wait3A_496 : memref<1x10240xf32, #tpu.memory_space<vmem_shared>> -> memref<10240xf32, #tpu.memory_space<vmem_shared>>
      %dma_wait3A_498 = arith.constant 0 : i32
      %dma_wait3A_499 = tpu.memref_slice %arg10[%arg1, %dma_wait3A_498] : memref<16x10240xf32, #tpu.memory_space<vmem_shared>> -> memref<1x10240xf32, #tpu.memory_space<vmem_shared>>
      %dma_wait3A_500 = tpu.memref_squeeze %dma_wait3A_499 : memref<1x10240xf32, #tpu.memory_space<vmem_shared>> -> memref<10240xf32, #tpu.memory_space<vmem_shared>>
      tpu.wait_dma2 semaphore(%run_scoped3A : memref<!tpu.dma_semaphore, #tpu.memory_space<semaphore_mem>>) src(%arg7 : memref<10240xf32, #tpu.memory_space<vmem>>) dst(%dma_wait3A_500 : memref<10240xf32, #tpu.memory_space<vmem_shared>>)
      tpu.yield
    }) : () -> ()
    %barrier3A = arith.constant 0 : index
    tpu.barrier barrier_id(%barrier3A)
    %mul3A_52 = arith.constant 640 : i32
    %mul3A_53 = arith.muli %arg1, %mul3A_52 : i32
    %dma_start3A_54 = arith.constant 0 : i32
    %dma_start3A_55 = arith.constant 0 : i32
    %dma_start3A_56 = arith.constant 0 : i32
    %dma_start3A_57 = tpu.memref_slice %arg9[%dma_start3A_55, %dma_start3A_56] : memref<16x640xf32, #tpu.memory_space<vmem>> -> memref<1x640xf32, #tpu.memory_space<vmem>>
    %dma_start3A_58 = tpu.memref_squeeze %dma_start3A_57 : memref<1x640xf32, #tpu.memory_space<vmem>> -> memref<640xf32, #tpu.memory_space<vmem>>
    %dma_start3A_59 = tpu.memref_slice %arg10[%dma_start3A_54, %mul3A_53] : memref<16x10240xf32, #tpu.memory_space<vmem_shared>> -> memref<1x640xf32, #tpu.memory_space<vmem_shared>>
    %dma_start3A_60 = tpu.memref_squeeze %dma_start3A_59 : memref<1x640xf32, #tpu.memory_space<vmem_shared>> -> memref<640xf32, #tpu.memory_space<vmem_shared>>
    %dma_start3A_61 = arith.constant 0 : i32
    %dma_start3A_62 = tpu.memref_slice %arg9[%dma_start3A_55, %dma_start3A_61] : memref<16x640xf32, #tpu.memory_space<vmem>> -> memref<1x640xf32, #tpu.memory_space<vmem>>
    %dma_start3A_63 = tpu.memref_squeeze %dma_start3A_62 : memref<1x640xf32, #tpu.memory_space<vmem>> -> memref<640xf32, #tpu.memory_space<vmem>>
    %dma_start3A_64 = tpu.memref_slice %arg10[%dma_start3A_54, %mul3A_53] : memref<16x10240xf32, #tpu.memory_space<vmem_shared>> -> memref<1x640xf32, #tpu.memory_space<vmem_shared>>
    %dma_start3A_65 = tpu.memref_squeeze %dma_start3A_64 : memref<1x640xf32, #tpu.memory_space<vmem_shared>> -> memref<640xf32, #tpu.memory_space<vmem_shared>>
    tpu.enqueue_dma source(%dma_start3A_65 : memref<640xf32, #tpu.memory_space<vmem_shared>>) target(%dma_start3A_63 : memref<640xf32, #tpu.memory_space<vmem>>) target_semaphore(%arg12 : memref<!tpu.dma_semaphore, #tpu.memory_space<semaphore_mem>>)
    %mul3A_66 = arith.constant 640 : i32
    %mul3A_67 = arith.muli %arg1, %mul3A_66 : i32
    %dma_start3A_68 = arith.constant 1 : i32
    %dma_start3A_69 = arith.constant 1 : i32
    %dma_start3A_70 = arith.constant 0 : i32
    %dma_start3A_71 = tpu.memref_slice %arg9[%dma_start3A_69, %dma_start3A_70] : memref<16x640xf32, #tpu.memory_space<vmem>> -> memref<1x640xf32, #tpu.memory_space<vmem>>
    %dma_start3A_72 = tpu.memref_squeeze %dma_start3A_71 : memref<1x640xf32, #tpu.memory_space<vmem>> -> memref<640xf32, #tpu.memory_space<vmem>>
    %dma_start3A_73 = tpu.memref_slice %arg10[%dma_start3A_68, %mul3A_67] : memref<16x10240xf32, #tpu.memory_space<vmem_shared>> -> memref<1x640xf32, #tpu.memory_space<vmem_shared>>
    %dma_start3A_74 = tpu.memref_squeeze %dma_start3A_73 : memref<1x640xf32, #tpu.memory_space<vmem_shared>> -> memref<640xf32, #tpu.memory_space<vmem_shared>>
    %dma_start3A_75 = arith.constant 0 : i32
    %dma_start3A_76 = tpu.memref_slice %arg9[%dma_start3A_69, %dma_start3A_75] : memref<16x640xf32, #tpu.memory_space<vmem>> -> memref<1x640xf32, #tpu.memory_space<vmem>>
    %dma_start3A_77 = tpu.memref_squeeze %dma_start3A_76 : memref<1x640xf32, #tpu.memory_space<vmem>> -> memref<640xf32, #tpu.memory_space<vmem>>
    %dma_start3A_78 = tpu.memref_slice %arg10[%dma_start3A_68, %mul3A_67] : memref<16x10240xf32, #tpu.memory_space<vmem_shared>> -> memref<1x640xf32, #tpu.memory_space<vmem_shared>>
    %dma_start3A_79 = tpu.memref_squeeze %dma_start3A_78 : memref<1x640xf32, #tpu.memory_space<vmem_shared>> -> memref<640xf32, #tpu.memory_space<vmem_shared>>
    tpu.enqueue_dma source(%dma_start3A_79 : memref<640xf32, #tpu.memory_space<vmem_shared>>) target(%dma_start3A_77 : memref<640xf32, #tpu.memory_space<vmem>>) target_semaphore(%arg12 : memref<!tpu.dma_semaphore, #tpu.memory_space<semaphore_mem>>)
    %mul3A_80 = arith.constant 640 : i32
    %mul3A_81 = arith.muli %arg1, %mul3A_80 : i32
    %dma_start3A_82 = arith.constant 2 : i32
    %dma_start3A_83 = arith.constant 2 : i32
    %dma_start3A_84 = arith.constant 0 : i32
    %dma_start3A_85 = tpu.memref_slice %arg9[%dma_start3A_83, %dma_start3A_84] : memref<16x640xf32, #tpu.memory_space<vmem>> -> memref<1x640xf32, #tpu.memory_space<vmem>>
    %dma_start3A_86 = tpu.memref_squeeze %dma_start3A_85 : memref<1x640xf32, #tpu.memory_space<vmem>> -> memref<640xf32, #tpu.memory_space<vmem>>
    %dma_start3A_87 = tpu.memref_slice %arg10[%dma_start3A_82, %mul3A_81] : memref<16x10240xf32, #tpu.memory_space<vmem_shared>> -> memref<1x640xf32, #tpu.memory_space<vmem_shared>>
    %dma_start3A_88 = tpu.memref_squeeze %dma_start3A_87 : memref<1x640xf32, #tpu.memory_space<vmem_shared>> -> memref<640xf32, #tpu.memory_space<vmem_shared>>
    %dma_start3A_89 = arith.constant 0 : i32
    %dma_start3A_90 = tpu.memref_slice %arg9[%dma_start3A_83, %dma_start3A_89] : memref<16x640xf32, #tpu.memory_space<vmem>> -> memref<1x640xf32, #tpu.memory_space<vmem>>
    %dma_start3A_91 = tpu.memref_squeeze %dma_start3A_90 : memref<1x640xf32, #tpu.memory_space<vmem>> -> memref<640xf32, #tpu.memory_space<vmem>>
    %dma_start3A_92 = tpu.memref_slice %arg10[%dma_start3A_82, %mul3A_81] : memref<16x10240xf32, #tpu.memory_space<vmem_shared>> -> memref<1x640xf32, #tpu.memory_space<vmem_shared>>
    %dma_start3A_93 = tpu.memref_squeeze %dma_start3A_92 : memref<1x640xf32, #tpu.memory_space<vmem_shared>> -> memref<640xf32, #tpu.memory_space<vmem_shared>>
    tpu.enqueue_dma source(%dma_start3A_93 : memref<640xf32, #tpu.memory_space<vmem_shared>>) target(%dma_start3A_91 : memref<640xf32, #tpu.memory_space<vmem>>) target_semaphore(%arg12 : memref<!tpu.dma_semaphore, #tpu.memory_space<semaphore_mem>>)
    %mul3A_94 = arith.constant 640 : i32
    %mul3A_95 = arith.muli %arg1, %mul3A_94 : i32
    %dma_start3A_96 = arith.constant 3 : i32
    %dma_start3A_97 = arith.constant 3 : i32
    %dma_start3A_98 = arith.constant 0 : i32
    %dma_start3A_99 = tpu.memref_slice %arg9[%dma_start3A_97, %dma_start3A_98] : memref<16x640xf32, #tpu.memory_space<vmem>> -> memref<1x640xf32, #tpu.memory_space<vmem>>
    %dma_start3A_100 = tpu.memref_squeeze %dma_start3A_99 : memref<1x640xf32, #tpu.memory_space<vmem>> -> memref<640xf32, #tpu.memory_space<vmem>>
    %dma_start3A_101 = tpu.memref_slice %arg10[%dma_start3A_96, %mul3A_95] : memref<16x10240xf32, #tpu.memory_space<vmem_shared>> -> memref<1x640xf32, #tpu.memory_space<vmem_shared>>
    %dma_start3A_102 = tpu.memref_squeeze %dma_start3A_101 : memref<1x640xf32, #tpu.memory_space<vmem_shared>> -> memref<640xf32, #tpu.memory_space<vmem_shared>>
    %dma_start3A_103 = arith.constant 0 : i32
    %dma_start3A_104 = tpu.memref_slice %arg9[%dma_start3A_97, %dma_start3A_103] : memref<16x640xf32, #tpu.memory_space<vmem>> -> memref<1x640xf32, #tpu.memory_space<vmem>>
    %dma_start3A_105 = tpu.memref_squeeze %dma_start3A_104 : memref<1x640xf32, #tpu.memory_space<vmem>> -> memref<640xf32, #tpu.memory_space<vmem>>
    %dma_start3A_106 = tpu.memref_slice %arg10[%dma_start3A_96, %mul3A_95] : memref<16x10240xf32, #tpu.memory_space<vmem_shared>> -> memref<1x640xf32, #tpu.memory_space<vmem_shared>>
    %dma_start3A_107 = tpu.memref_squeeze %dma_start3A_106 : memref<1x640xf32, #tpu.memory_space<vmem_shared>> -> memref<640xf32, #tpu.memory_space<vmem_shared>>
    tpu.enqueue_dma source(%dma_start3A_107 : memref<640xf32, #tpu.memory_space<vmem_shared>>) target(%dma_start3A_105 : memref<640xf32, #tpu.memory_space<vmem>>) target_semaphore(%arg12 : memref<!tpu.dma_semaphore, #tpu.memory_space<semaphore_mem>>)
    %mul3A_108 = arith.constant 640 : i32
    %mul3A_109 = arith.muli %arg1, %mul3A_108 : i32
    %dma_start3A_110 = arith.constant 4 : i32
    %dma_start3A_111 = arith.constant 4 : i32
    %dma_start3A_112 = arith.constant 0 : i32
    %dma_start3A_113 = tpu.memref_slice %arg9[%dma_start3A_111, %dma_start3A_112] : memref<16x640xf32, #tpu.memory_space<vmem>> -> memref<1x640xf32, #tpu.memory_space<vmem>>
    %dma_start3A_114 = tpu.memref_squeeze %dma_start3A_113 : memref<1x640xf32, #tpu.memory_space<vmem>> -> memref<640xf32, #tpu.memory_space<vmem>>
    %dma_start3A_115 = tpu.memref_slice %arg10[%dma_start3A_110, %mul3A_109] : memref<16x10240xf32, #tpu.memory_space<vmem_shared>> -> memref<1x640xf32, #tpu.memory_space<vmem_shared>>
    %dma_start3A_116 = tpu.memref_squeeze %dma_start3A_115 : memref<1x640xf32, #tpu.memory_space<vmem_shared>> -> memref<640xf32, #tpu.memory_space<vmem_shared>>
    %dma_start3A_117 = arith.constant 0 : i32
    %dma_start3A_118 = tpu.memref_slice %arg9[%dma_start3A_111, %dma_start3A_117] : memref<16x640xf32, #tpu.memory_space<vmem>> -> memref<1x640xf32, #tpu.memory_space<vmem>>
    %dma_start3A_119 = tpu.memref_squeeze %dma_start3A_118 : memref<1x640xf32, #tpu.memory_space<vmem>> -> memref<640xf32, #tpu.memory_space<vmem>>
    %dma_start3A_120 = tpu.memref_slice %arg10[%dma_start3A_110, %mul3A_109] : memref<16x10240xf32, #tpu.memory_space<vmem_shared>> -> memref<1x640xf32, #tpu.memory_space<vmem_shared>>
    %dma_start3A_121 = tpu.memref_squeeze %dma_start3A_120 : memref<1x640xf32, #tpu.memory_space<vmem_shared>> -> memref<640xf32, #tpu.memory_space<vmem_shared>>
    tpu.enqueue_dma source(%dma_start3A_121 : memref<640xf32, #tpu.memory_space<vmem_shared>>) target(%dma_start3A_119 : memref<640xf32, #tpu.memory_space<vmem>>) target_semaphore(%arg12 : memref<!tpu.dma_semaphore, #tpu.memory_space<semaphore_mem>>)
    %mul3A_122 = arith.constant 640 : i32
    %mul3A_123 = arith.muli %arg1, %mul3A_122 : i32
    %dma_start3A_124 = arith.constant 5 : i32
    %dma_start3A_125 = arith.constant 5 : i32
    %dma_start3A_126 = arith.constant 0 : i32
    %dma_start3A_127 = tpu.memref_slice %arg9[%dma_start3A_125, %dma_start3A_126] : memref<16x640xf32, #tpu.memory_space<vmem>> -> memref<1x640xf32, #tpu.memory_space<vmem>>
    %dma_start3A_128 = tpu.memref_squeeze %dma_start3A_127 : memref<1x640xf32, #tpu.memory_space<vmem>> -> memref<640xf32, #tpu.memory_space<vmem>>
    %dma_start3A_129 = tpu.memref_slice %arg10[%dma_start3A_124, %mul3A_123] : memref<16x10240xf32, #tpu.memory_space<vmem_shared>> -> memref<1x640xf32, #tpu.memory_space<vmem_shared>>
    %dma_start3A_130 = tpu.memref_squeeze %dma_start3A_129 : memref<1x640xf32, #tpu.memory_space<vmem_shared>> -> memref<640xf32, #tpu.memory_space<vmem_shared>>
    %dma_start3A_131 = arith.constant 0 : i32
    %dma_start3A_132 = tpu.memref_slice %arg9[%dma_start3A_125, %dma_start3A_131] : memref<16x640xf32, #tpu.memory_space<vmem>> -> memref<1x640xf32, #tpu.memory_space<vmem>>
    %dma_start3A_133 = tpu.memref_squeeze %dma_start3A_132 : memref<1x640xf32, #tpu.memory_space<vmem>> -> memref<640xf32, #tpu.memory_space<vmem>>
    %dma_start3A_134 = tpu.memref_slice %arg10[%dma_start3A_124, %mul3A_123] : memref<16x10240xf32, #tpu.memory_space<vmem_shared>> -> memref<1x640xf32, #tpu.memory_space<vmem_shared>>
    %dma_start3A_135 = tpu.memref_squeeze %dma_start3A_134 : memref<1x640xf32, #tpu.memory_space<vmem_shared>> -> memref<640xf32, #tpu.memory_space<vmem_shared>>
    tpu.enqueue_dma source(%dma_start3A_135 : memref<640xf32, #tpu.memory_space<vmem_shared>>) target(%dma_start3A_133 : memref<640xf32, #tpu.memory_space<vmem>>) target_semaphore(%arg12 : memref<!tpu.dma_semaphore, #tpu.memory_space<semaphore_mem>>)
    %mul3A_136 = arith.constant 640 : i32
    %mul3A_137 = arith.muli %arg1, %mul3A_136 : i32
    %dma_start3A_138 = arith.constant 6 : i32
    %dma_start3A_139 = arith.constant 6 : i32
    %dma_start3A_140 = arith.constant 0 : i32
    %dma_start3A_141 = tpu.memref_slice %arg9[%dma_start3A_139, %dma_start3A_140] : memref<16x640xf32, #tpu.memory_space<vmem>> -> memref<1x640xf32, #tpu.memory_space<vmem>>
    %dma_start3A_142 = tpu.memref_squeeze %dma_start3A_141 : memref<1x640xf32, #tpu.memory_space<vmem>> -> memref<640xf32, #tpu.memory_space<vmem>>
    %dma_start3A_143 = tpu.memref_slice %arg10[%dma_start3A_138, %mul3A_137] : memref<16x10240xf32, #tpu.memory_space<vmem_shared>> -> memref<1x640xf32, #tpu.memory_space<vmem_shared>>
    %dma_start3A_144 = tpu.memref_squeeze %dma_start3A_143 : memref<1x640xf32, #tpu.memory_space<vmem_shared>> -> memref<640xf32, #tpu.memory_space<vmem_shared>>
    %dma_start3A_145 = arith.constant 0 : i32
    %dma_start3A_146 = tpu.memref_slice %arg9[%dma_start3A_139, %dma_start3A_145] : memref<16x640xf32, #tpu.memory_space<vmem>> -> memref<1x640xf32, #tpu.memory_space<vmem>>
    %dma_start3A_147 = tpu.memref_squeeze %dma_start3A_146 : memref<1x640xf32, #tpu.memory_space<vmem>> -> memref<640xf32, #tpu.memory_space<vmem>>
    %dma_start3A_148 = tpu.memref_slice %arg10[%dma_start3A_138, %mul3A_137] : memref<16x10240xf32, #tpu.memory_space<vmem_shared>> -> memref<1x640xf32, #tpu.memory_space<vmem_shared>>
    %dma_start3A_149 = tpu.memref_squeeze %dma_start3A_148 : memref<1x640xf32, #tpu.memory_space<vmem_shared>> -> memref<640xf32, #tpu.memory_space<vmem_shared>>
    tpu.enqueue_dma source(%dma_start3A_149 : memref<640xf32, #tpu.memory_space<vmem_shared>>) target(%dma_start3A_147 : memref<640xf32, #tpu.memory_space<vmem>>) target_semaphore(%arg12 : memref<!tpu.dma_semaphore, #tpu.memory_space<semaphore_mem>>)
    %mul3A_150 = arith.constant 640 : i32
    %mul3A_151 = arith.muli %arg1, %mul3A_150 : i32
    %dma_start3A_152 = arith.constant 7 : i32
    %dma_start3A_153 = arith.constant 7 : i32
    %dma_start3A_154 = arith.constant 0 : i32
    %dma_start3A_155 = tpu.memref_slice %arg9[%dma_start3A_153, %dma_start3A_154] : memref<16x640xf32, #tpu.memory_space<vmem>> -> memref<1x640xf32, #tpu.memory_space<vmem>>
    %dma_start3A_156 = tpu.memref_squeeze %dma_start3A_155 : memref<1x640xf32, #tpu.memory_space<vmem>> -> memref<640xf32, #tpu.memory_space<vmem>>
    %dma_start3A_157 = tpu.memref_slice %arg10[%dma_start3A_152, %mul3A_151] : memref<16x10240xf32, #tpu.memory_space<vmem_shared>> -> memref<1x640xf32, #tpu.memory_space<vmem_shared>>
    %dma_start3A_158 = tpu.memref_squeeze %dma_start3A_157 : memref<1x640xf32, #tpu.memory_space<vmem_shared>> -> memref<640xf32, #tpu.memory_space<vmem_shared>>
    %dma_start3A_159 = arith.constant 0 : i32
    %dma_start3A_160 = tpu.memref_slice %arg9[%dma_start3A_153, %dma_start3A_159] : memref<16x640xf32, #tpu.memory_space<vmem>> -> memref<1x640xf32, #tpu.memory_space<vmem>>
    %dma_start3A_161 = tpu.memref_squeeze %dma_start3A_160 : memref<1x640xf32, #tpu.memory_space<vmem>> -> memref<640xf32, #tpu.memory_space<vmem>>
    %dma_start3A_162 = tpu.memref_slice %arg10[%dma_start3A_152, %mul3A_151] : memref<16x10240xf32, #tpu.memory_space<vmem_shared>> -> memref<1x640xf32, #tpu.memory_space<vmem_shared>>
    %dma_start3A_163 = tpu.memref_squeeze %dma_start3A_162 : memref<1x640xf32, #tpu.memory_space<vmem_shared>> -> memref<640xf32, #tpu.memory_space<vmem_shared>>
    tpu.enqueue_dma source(%dma_start3A_163 : memref<640xf32, #tpu.memory_space<vmem_shared>>) target(%dma_start3A_161 : memref<640xf32, #tpu.memory_space<vmem>>) target_semaphore(%arg12 : memref<!tpu.dma_semaphore, #tpu.memory_space<semaphore_mem>>)
    %mul3A_164 = arith.constant 640 : i32
    %mul3A_165 = arith.muli %arg1, %mul3A_164 : i32
    %dma_start3A_166 = arith.constant 8 : i32
    %dma_start3A_167 = arith.constant 8 : i32
    %dma_start3A_168 = arith.constant 0 : i32
    %dma_start3A_169 = tpu.memref_slice %arg9[%dma_start3A_167, %dma_start3A_168] : memref<16x640xf32, #tpu.memory_space<vmem>> -> memref<1x640xf32, #tpu.memory_space<vmem>>
    %dma_start3A_170 = tpu.memref_squeeze %dma_start3A_169 : memref<1x640xf32, #tpu.memory_space<vmem>> -> memref<640xf32, #tpu.memory_space<vmem>>
    %dma_start3A_171 = tpu.memref_slice %arg10[%dma_start3A_166, %mul3A_165] : memref<16x10240xf32, #tpu.memory_space<vmem_shared>> -> memref<1x640xf32, #tpu.memory_space<vmem_shared>>
    %dma_start3A_172 = tpu.memref_squeeze %dma_start3A_171 : memref<1x640xf32, #tpu.memory_space<vmem_shared>> -> memref<640xf32, #tpu.memory_space<vmem_shared>>
    %dma_start3A_173 = arith.constant 0 : i32
    %dma_start3A_174 = tpu.memref_slice %arg9[%dma_start3A_167, %dma_start3A_173] : memref<16x640xf32, #tpu.memory_space<vmem>> -> memref<1x640xf32, #tpu.memory_space<vmem>>
    %dma_start3A_175 = tpu.memref_squeeze %dma_start3A_174 : memref<1x640xf32, #tpu.memory_space<vmem>> -> memref<640xf32, #tpu.memory_space<vmem>>
    %dma_start3A_176 = tpu.memref_slice %arg10[%dma_start3A_166, %mul3A_165] : memref<16x10240xf32, #tpu.memory_space<vmem_shared>> -> memref<1x640xf32, #tpu.memory_space<vmem_shared>>
    %dma_start3A_177 = tpu.memref_squeeze %dma_start3A_176 : memref<1x640xf32, #tpu.memory_space<vmem_shared>> -> memref<640xf32, #tpu.memory_space<vmem_shared>>
    tpu.enqueue_dma source(%dma_start3A_177 : memref<640xf32, #tpu.memory_space<vmem_shared>>) target(%dma_start3A_175 : memref<640xf32, #tpu.memory_space<vmem>>) target_semaphore(%arg12 : memref<!tpu.dma_semaphore, #tpu.memory_space<semaphore_mem>>)
    %mul3A_178 = arith.constant 640 : i32
    %mul3A_179 = arith.muli %arg1, %mul3A_178 : i32
    %dma_start3A_180 = arith.constant 9 : i32
    %dma_start3A_181 = arith.constant 9 : i32
    %dma_start3A_182 = arith.constant 0 : i32
    %dma_start3A_183 = tpu.memref_slice %arg9[%dma_start3A_181, %dma_start3A_182] : memref<16x640xf32, #tpu.memory_space<vmem>> -> memref<1x640xf32, #tpu.memory_space<vmem>>
    %dma_start3A_184 = tpu.memref_squeeze %dma_start3A_183 : memref<1x640xf32, #tpu.memory_space<vmem>> -> memref<640xf32, #tpu.memory_space<vmem>>
    %dma_start3A_185 = tpu.memref_slice %arg10[%dma_start3A_180, %mul3A_179] : memref<16x10240xf32, #tpu.memory_space<vmem_shared>> -> memref<1x640xf32, #tpu.memory_space<vmem_shared>>
    %dma_start3A_186 = tpu.memref_squeeze %dma_start3A_185 : memref<1x640xf32, #tpu.memory_space<vmem_shared>> -> memref<640xf32, #tpu.memory_space<vmem_shared>>
    %dma_start3A_187 = arith.constant 0 : i32
    %dma_start3A_188 = tpu.memref_slice %arg9[%dma_start3A_181, %dma_start3A_187] : memref<16x640xf32, #tpu.memory_space<vmem>> -> memref<1x640xf32, #tpu.memory_space<vmem>>
    %dma_start3A_189 = tpu.memref_squeeze %dma_start3A_188 : memref<1x640xf32, #tpu.memory_space<vmem>> -> memref<640xf32, #tpu.memory_space<vmem>>
    %dma_start3A_190 = tpu.memref_slice %arg10[%dma_start3A_180, %mul3A_179] : memref<16x10240xf32, #tpu.memory_space<vmem_shared>> -> memref<1x640xf32, #tpu.memory_space<vmem_shared>>
    %dma_start3A_191 = tpu.memref_squeeze %dma_start3A_190 : memref<1x640xf32, #tpu.memory_space<vmem_shared>> -> memref<640xf32, #tpu.memory_space<vmem_shared>>
    tpu.enqueue_dma source(%dma_start3A_191 : memref<640xf32, #tpu.memory_space<vmem_shared>>) target(%dma_start3A_189 : memref<640xf32, #tpu.memory_space<vmem>>) target_semaphore(%arg12 : memref<!tpu.dma_semaphore, #tpu.memory_space<semaphore_mem>>)
    %mul3A_192 = arith.constant 640 : i32
    %mul3A_193 = arith.muli %arg1, %mul3A_192 : i32
    %dma_start3A_194 = arith.constant 10 : i32
    %dma_start3A_195 = arith.constant 10 : i32
    %dma_start3A_196 = arith.constant 0 : i32
    %dma_start3A_197 = tpu.memref_slice %arg9[%dma_start3A_195, %dma_start3A_196] : memref<16x640xf32, #tpu.memory_space<vmem>> -> memref<1x640xf32, #tpu.memory_space<vmem>>
    %dma_start3A_198 = tpu.memref_squeeze %dma_start3A_197 : memref<1x640xf32, #tpu.memory_space<vmem>> -> memref<640xf32, #tpu.memory_space<vmem>>
    %dma_start3A_199 = tpu.memref_slice %arg10[%dma_start3A_194, %mul3A_193] : memref<16x10240xf32, #tpu.memory_space<vmem_shared>> -> memref<1x640xf32, #tpu.memory_space<vmem_shared>>
    %dma_start3A_200 = tpu.memref_squeeze %dma_start3A_199 : memref<1x640xf32, #tpu.memory_space<vmem_shared>> -> memref<640xf32, #tpu.memory_space<vmem_shared>>
    %dma_start3A_201 = arith.constant 0 : i32
    %dma_start3A_202 = tpu.memref_slice %arg9[%dma_start3A_195, %dma_start3A_201] : memref<16x640xf32, #tpu.memory_space<vmem>> -> memref<1x640xf32, #tpu.memory_space<vmem>>
    %dma_start3A_203 = tpu.memref_squeeze %dma_start3A_202 : memref<1x640xf32, #tpu.memory_space<vmem>> -> memref<640xf32, #tpu.memory_space<vmem>>
    %dma_start3A_204 = tpu.memref_slice %arg10[%dma_start3A_194, %mul3A_193] : memref<16x10240xf32, #tpu.memory_space<vmem_shared>> -> memref<1x640xf32, #tpu.memory_space<vmem_shared>>
    %dma_start3A_205 = tpu.memref_squeeze %dma_start3A_204 : memref<1x640xf32, #tpu.memory_space<vmem_shared>> -> memref<640xf32, #tpu.memory_space<vmem_shared>>
    tpu.enqueue_dma source(%dma_start3A_205 : memref<640xf32, #tpu.memory_space<vmem_shared>>) target(%dma_start3A_203 : memref<640xf32, #tpu.memory_space<vmem>>) target_semaphore(%arg12 : memref<!tpu.dma_semaphore, #tpu.memory_space<semaphore_mem>>)
    %mul3A_206 = arith.constant 640 : i32
    %mul3A_207 = arith.muli %arg1, %mul3A_206 : i32
    %dma_start3A_208 = arith.constant 11 : i32
    %dma_start3A_209 = arith.constant 11 : i32
    %dma_start3A_210 = arith.constant 0 : i32
    %dma_start3A_211 = tpu.memref_slice %arg9[%dma_start3A_209, %dma_start3A_210] : memref<16x640xf32, #tpu.memory_space<vmem>> -> memref<1x640xf32, #tpu.memory_space<vmem>>
    %dma_start3A_212 = tpu.memref_squeeze %dma_start3A_211 : memref<1x640xf32, #tpu.memory_space<vmem>> -> memref<640xf32, #tpu.memory_space<vmem>>
    %dma_start3A_213 = tpu.memref_slice %arg10[%dma_start3A_208, %mul3A_207] : memref<16x10240xf32, #tpu.memory_space<vmem_shared>> -> memref<1x640xf32, #tpu.memory_space<vmem_shared>>
    %dma_start3A_214 = tpu.memref_squeeze %dma_start3A_213 : memref<1x640xf32, #tpu.memory_space<vmem_shared>> -> memref<640xf32, #tpu.memory_space<vmem_shared>>
    %dma_start3A_215 = arith.constant 0 : i32
    %dma_start3A_216 = tpu.memref_slice %arg9[%dma_start3A_209, %dma_start3A_215] : memref<16x640xf32, #tpu.memory_space<vmem>> -> memref<1x640xf32, #tpu.memory_space<vmem>>
    %dma_start3A_217 = tpu.memref_squeeze %dma_start3A_216 : memref<1x640xf32, #tpu.memory_space<vmem>> -> memref<640xf32, #tpu.memory_space<vmem>>
    %dma_start3A_218 = tpu.memref_slice %arg10[%dma_start3A_208, %mul3A_207] : memref<16x10240xf32, #tpu.memory_space<vmem_shared>> -> memref<1x640xf32, #tpu.memory_space<vmem_shared>>
    %dma_start3A_219 = tpu.memref_squeeze %dma_start3A_218 : memref<1x640xf32, #tpu.memory_space<vmem_shared>> -> memref<640xf32, #tpu.memory_space<vmem_shared>>
    tpu.enqueue_dma source(%dma_start3A_219 : memref<640xf32, #tpu.memory_space<vmem_shared>>) target(%dma_start3A_217 : memref<640xf32, #tpu.memory_space<vmem>>) target_semaphore(%arg12 : memref<!tpu.dma_semaphore, #tpu.memory_space<semaphore_mem>>)
    %mul3A_220 = arith.constant 640 : i32
    %mul3A_221 = arith.muli %arg1, %mul3A_220 : i32
    %dma_start3A_222 = arith.constant 12 : i32
    %dma_start3A_223 = arith.constant 12 : i32
    %dma_start3A_224 = arith.constant 0 : i32
    %dma_start3A_225 = tpu.memref_slice %arg9[%dma_start3A_223, %dma_start3A_224] : memref<16x640xf32, #tpu.memory_space<vmem>> -> memref<1x640xf32, #tpu.memory_space<vmem>>
    %dma_start3A_226 = tpu.memref_squeeze %dma_start3A_225 : memref<1x640xf32, #tpu.memory_space<vmem>> -> memref<640xf32, #tpu.memory_space<vmem>>
    %dma_start3A_227 = tpu.memref_slice %arg10[%dma_start3A_222, %mul3A_221] : memref<16x10240xf32, #tpu.memory_space<vmem_shared>> -> memref<1x640xf32, #tpu.memory_space<vmem_shared>>
    %dma_start3A_228 = tpu.memref_squeeze %dma_start3A_227 : memref<1x640xf32, #tpu.memory_space<vmem_shared>> -> memref<640xf32, #tpu.memory_space<vmem_shared>>
    %dma_start3A_229 = arith.constant 0 : i32
    %dma_start3A_230 = tpu.memref_slice %arg9[%dma_start3A_223, %dma_start3A_229] : memref<16x640xf32, #tpu.memory_space<vmem>> -> memref<1x640xf32, #tpu.memory_space<vmem>>
    %dma_start3A_231 = tpu.memref_squeeze %dma_start3A_230 : memref<1x640xf32, #tpu.memory_space<vmem>> -> memref<640xf32, #tpu.memory_space<vmem>>
    %dma_start3A_232 = tpu.memref_slice %arg10[%dma_start3A_222, %mul3A_221] : memref<16x10240xf32, #tpu.memory_space<vmem_shared>> -> memref<1x640xf32, #tpu.memory_space<vmem_shared>>
    %dma_start3A_233 = tpu.memref_squeeze %dma_start3A_232 : memref<1x640xf32, #tpu.memory_space<vmem_shared>> -> memref<640xf32, #tpu.memory_space<vmem_shared>>
    tpu.enqueue_dma source(%dma_start3A_233 : memref<640xf32, #tpu.memory_space<vmem_shared>>) target(%dma_start3A_231 : memref<640xf32, #tpu.memory_space<vmem>>) target_semaphore(%arg12 : memref<!tpu.dma_semaphore, #tpu.memory_space<semaphore_mem>>)
    %mul3A_234 = arith.constant 640 : i32
    %mul3A_235 = arith.muli %arg1, %mul3A_234 : i32
    %dma_start3A_236 = arith.constant 13 : i32
    %dma_start3A_237 = arith.constant 13 : i32
    %dma_start3A_238 = arith.constant 0 : i32
    %dma_start3A_239 = tpu.memref_slice %arg9[%dma_start3A_237, %dma_start3A_238] : memref<16x640xf32, #tpu.memory_space<vmem>> -> memref<1x640xf32, #tpu.memory_space<vmem>>
    %dma_start3A_240 = tpu.memref_squeeze %dma_start3A_239 : memref<1x640xf32, #tpu.memory_space<vmem>> -> memref<640xf32, #tpu.memory_space<vmem>>
    %dma_start3A_241 = tpu.memref_slice %arg10[%dma_start3A_236, %mul3A_235] : memref<16x10240xf32, #tpu.memory_space<vmem_shared>> -> memref<1x640xf32, #tpu.memory_space<vmem_shared>>
    %dma_start3A_242 = tpu.memref_squeeze %dma_start3A_241 : memref<1x640xf32, #tpu.memory_space<vmem_shared>> -> memref<640xf32, #tpu.memory_space<vmem_shared>>
    %dma_start3A_243 = arith.constant 0 : i32
    %dma_start3A_244 = tpu.memref_slice %arg9[%dma_start3A_237, %dma_start3A_243] : memref<16x640xf32, #tpu.memory_space<vmem>> -> memref<1x640xf32, #tpu.memory_space<vmem>>
    %dma_start3A_245 = tpu.memref_squeeze %dma_start3A_244 : memref<1x640xf32, #tpu.memory_space<vmem>> -> memref<640xf32, #tpu.memory_space<vmem>>
    %dma_start3A_246 = tpu.memref_slice %arg10[%dma_start3A_236, %mul3A_235] : memref<16x10240xf32, #tpu.memory_space<vmem_shared>> -> memref<1x640xf32, #tpu.memory_space<vmem_shared>>
    %dma_start3A_247 = tpu.memref_squeeze %dma_start3A_246 : memref<1x640xf32, #tpu.memory_space<vmem_shared>> -> memref<640xf32, #tpu.memory_space<vmem_shared>>
    tpu.enqueue_dma source(%dma_start3A_247 : memref<640xf32, #tpu.memory_space<vmem_shared>>) target(%dma_start3A_245 : memref<640xf32, #tpu.memory_space<vmem>>) target_semaphore(%arg12 : memref<!tpu.dma_semaphore, #tpu.memory_space<semaphore_mem>>)
    %mul3A_248 = arith.constant 640 : i32
    %mul3A_249 = arith.muli %arg1, %mul3A_248 : i32
    %dma_start3A_250 = arith.constant 14 : i32
    %dma_start3A_251 = arith.constant 14 : i32
    %dma_start3A_252 = arith.constant 0 : i32
    %dma_start3A_253 = tpu.memref_slice %arg9[%dma_start3A_251, %dma_start3A_252] : memref<16x640xf32, #tpu.memory_space<vmem>> -> memref<1x640xf32, #tpu.memory_space<vmem>>
    %dma_start3A_254 = tpu.memref_squeeze %dma_start3A_253 : memref<1x640xf32, #tpu.memory_space<vmem>> -> memref<640xf32, #tpu.memory_space<vmem>>
    %dma_start3A_255 = tpu.memref_slice %arg10[%dma_start3A_250, %mul3A_249] : memref<16x10240xf32, #tpu.memory_space<vmem_shared>> -> memref<1x640xf32, #tpu.memory_space<vmem_shared>>
    %dma_start3A_256 = tpu.memref_squeeze %dma_start3A_255 : memref<1x640xf32, #tpu.memory_space<vmem_shared>> -> memref<640xf32, #tpu.memory_space<vmem_shared>>
    %dma_start3A_257 = arith.constant 0 : i32
    %dma_start3A_258 = tpu.memref_slice %arg9[%dma_start3A_251, %dma_start3A_257] : memref<16x640xf32, #tpu.memory_space<vmem>> -> memref<1x640xf32, #tpu.memory_space<vmem>>
    %dma_start3A_259 = tpu.memref_squeeze %dma_start3A_258 : memref<1x640xf32, #tpu.memory_space<vmem>> -> memref<640xf32, #tpu.memory_space<vmem>>
    %dma_start3A_260 = tpu.memref_slice %arg10[%dma_start3A_250, %mul3A_249] : memref<16x10240xf32, #tpu.memory_space<vmem_shared>> -> memref<1x640xf32, #tpu.memory_space<vmem_shared>>
    %dma_start3A_261 = tpu.memref_squeeze %dma_start3A_260 : memref<1x640xf32, #tpu.memory_space<vmem_shared>> -> memref<640xf32, #tpu.memory_space<vmem_shared>>
    tpu.enqueue_dma source(%dma_start3A_261 : memref<640xf32, #tpu.memory_space<vmem_shared>>) target(%dma_start3A_259 : memref<640xf32, #tpu.memory_space<vmem>>) target_semaphore(%arg12 : memref<!tpu.dma_semaphore, #tpu.memory_space<semaphore_mem>>)
    %mul3A_262 = arith.constant 640 : i32
    %mul3A_263 = arith.muli %arg1, %mul3A_262 : i32
    %dma_start3A_264 = arith.constant 15 : i32
    %dma_start3A_265 = arith.constant 15 : i32
    %dma_start3A_266 = arith.constant 0 : i32
    %dma_start3A_267 = tpu.memref_slice %arg9[%dma_start3A_265, %dma_start3A_266] : memref<16x640xf32, #tpu.memory_space<vmem>> -> memref<1x640xf32, #tpu.memory_space<vmem>>
    %dma_start3A_268 = tpu.memref_squeeze %dma_start3A_267 : memref<1x640xf32, #tpu.memory_space<vmem>> -> memref<640xf32, #tpu.memory_space<vmem>>
    %dma_start3A_269 = tpu.memref_slice %arg10[%dma_start3A_264, %mul3A_263] : memref<16x10240xf32, #tpu.memory_space<vmem_shared>> -> memref<1x640xf32, #tpu.memory_space<vmem_shared>>
    %dma_start3A_270 = tpu.memref_squeeze %dma_start3A_269 : memref<1x640xf32, #tpu.memory_space<vmem_shared>> -> memref<640xf32, #tpu.memory_space<vmem_shared>>
    %dma_start3A_271 = arith.constant 0 : i32
    %dma_start3A_272 = tpu.memref_slice %arg9[%dma_start3A_265, %dma_start3A_271] : memref<16x640xf32, #tpu.memory_space<vmem>> -> memref<1x640xf32, #tpu.memory_space<vmem>>
    %dma_start3A_273 = tpu.memref_squeeze %dma_start3A_272 : memref<1x640xf32, #tpu.memory_space<vmem>> -> memref<640xf32, #tpu.memory_space<vmem>>
    %dma_start3A_274 = tpu.memref_slice %arg10[%dma_start3A_264, %mul3A_263] : memref<16x10240xf32, #tpu.memory_space<vmem_shared>> -> memref<1x640xf32, #tpu.memory_space<vmem_shared>>
    %dma_start3A_275 = tpu.memref_squeeze %dma_start3A_274 : memref<1x640xf32, #tpu.memory_space<vmem_shared>> -> memref<640xf32, #tpu.memory_space<vmem_shared>>
    tpu.enqueue_dma source(%dma_start3A_275 : memref<640xf32, #tpu.memory_space<vmem_shared>>) target(%dma_start3A_273 : memref<640xf32, #tpu.memory_space<vmem>>) target_semaphore(%arg12 : memref<!tpu.dma_semaphore, #tpu.memory_space<semaphore_mem>>)
    %dma_wait3A_276 = arith.constant 0 : i32
    %dma_wait3A_277 = arith.constant 0 : i32
    %dma_wait3A_278 = arith.constant 0 : i32
    %dma_wait3A_279 = tpu.memref_slice %arg9[%dma_wait3A_277, %dma_wait3A_278] : memref<16x640xf32, #tpu.memory_space<vmem>> -> memref<1x640xf32, #tpu.memory_space<vmem>>
    %dma_wait3A_280 = tpu.memref_squeeze %dma_wait3A_279 : memref<1x640xf32, #tpu.memory_space<vmem>> -> memref<640xf32, #tpu.memory_space<vmem>>
    %dma_wait3A_281 = tpu.memref_slice %arg10[%dma_wait3A_276, %mul3A_53] : memref<16x10240xf32, #tpu.memory_space<vmem_shared>> -> memref<1x640xf32, #tpu.memory_space<vmem_shared>>
    %dma_wait3A_282 = tpu.memref_squeeze %dma_wait3A_281 : memref<1x640xf32, #tpu.memory_space<vmem_shared>> -> memref<640xf32, #tpu.memory_space<vmem_shared>>
    %dma_wait3A_283 = arith.constant 0 : i32
    %dma_wait3A_284 = tpu.memref_slice %arg9[%dma_wait3A_277, %dma_wait3A_283] : memref<16x640xf32, #tpu.memory_space<vmem>> -> memref<1x640xf32, #tpu.memory_space<vmem>>
    %dma_wait3A_285 = tpu.memref_squeeze %dma_wait3A_284 : memref<1x640xf32, #tpu.memory_space<vmem>> -> memref<640xf32, #tpu.memory_space<vmem>>
    %dma_wait3A_286 = tpu.memref_slice %arg10[%dma_wait3A_276, %mul3A_53] : memref<16x10240xf32, #tpu.memory_space<vmem_shared>> -> memref<1x640xf32, #tpu.memory_space<vmem_shared>>
    %dma_wait3A_287 = tpu.memref_squeeze %dma_wait3A_286 : memref<1x640xf32, #tpu.memory_space<vmem_shared>> -> memref<640xf32, #tpu.memory_space<vmem_shared>>
    tpu.wait_dma2 semaphore(%arg12 : memref<!tpu.dma_semaphore, #tpu.memory_space<semaphore_mem>>) src(%dma_wait3A_287 : memref<640xf32, #tpu.memory_space<vmem_shared>>) dst(%dma_wait3A_285 : memref<640xf32, #tpu.memory_space<vmem>>)
    %dma_wait3A_288 = arith.constant 1 : i32
    %dma_wait3A_289 = arith.constant 1 : i32
    %dma_wait3A_290 = arith.constant 0 : i32
    %dma_wait3A_291 = tpu.memref_slice %arg9[%dma_wait3A_289, %dma_wait3A_290] : memref<16x640xf32, #tpu.memory_space<vmem>> -> memref<1x640xf32, #tpu.memory_space<vmem>>
    %dma_wait3A_292 = tpu.memref_squeeze %dma_wait3A_291 : memref<1x640xf32, #tpu.memory_space<vmem>> -> memref<640xf32, #tpu.memory_space<vmem>>
    %dma_wait3A_293 = tpu.memref_slice %arg10[%dma_wait3A_288, %mul3A_67] : memref<16x10240xf32, #tpu.memory_space<vmem_shared>> -> memref<1x640xf32, #tpu.memory_space<vmem_shared>>
    %dma_wait3A_294 = tpu.memref_squeeze %dma_wait3A_293 : memref<1x640xf32, #tpu.memory_space<vmem_shared>> -> memref<640xf32, #tpu.memory_space<vmem_shared>>
    %dma_wait3A_295 = arith.constant 0 : i32
    %dma_wait3A_296 = tpu.memref_slice %arg9[%dma_wait3A_289, %dma_wait3A_295] : memref<16x640xf32, #tpu.memory_space<vmem>> -> memref<1x640xf32, #tpu.memory_space<vmem>>
    %dma_wait3A_297 = tpu.memref_squeeze %dma_wait3A_296 : memref<1x640xf32, #tpu.memory_space<vmem>> -> memref<640xf32, #tpu.memory_space<vmem>>
    %dma_wait3A_298 = tpu.memref_slice %arg10[%dma_wait3A_288, %mul3A_67] : memref<16x10240xf32, #tpu.memory_space<vmem_shared>> -> memref<1x640xf32, #tpu.memory_space<vmem_shared>>
    %dma_wait3A_299 = tpu.memref_squeeze %dma_wait3A_298 : memref<1x640xf32, #tpu.memory_space<vmem_shared>> -> memref<640xf32, #tpu.memory_space<vmem_shared>>
    tpu.wait_dma2 semaphore(%arg12 : memref<!tpu.dma_semaphore, #tpu.memory_space<semaphore_mem>>) src(%dma_wait3A_299 : memref<640xf32, #tpu.memory_space<vmem_shared>>) dst(%dma_wait3A_297 : memref<640xf32, #tpu.memory_space<vmem>>)
    %dma_wait3A_300 = arith.constant 2 : i32
    %dma_wait3A_301 = arith.constant 2 : i32
    %dma_wait3A_302 = arith.constant 0 : i32
    %dma_wait3A_303 = tpu.memref_slice %arg9[%dma_wait3A_301, %dma_wait3A_302] : memref<16x640xf32, #tpu.memory_space<vmem>> -> memref<1x640xf32, #tpu.memory_space<vmem>>
    %dma_wait3A_304 = tpu.memref_squeeze %dma_wait3A_303 : memref<1x640xf32, #tpu.memory_space<vmem>> -> memref<640xf32, #tpu.memory_space<vmem>>
    %dma_wait3A_305 = tpu.memref_slice %arg10[%dma_wait3A_300, %mul3A_81] : memref<16x10240xf32, #tpu.memory_space<vmem_shared>> -> memref<1x640xf32, #tpu.memory_space<vmem_shared>>
    %dma_wait3A_306 = tpu.memref_squeeze %dma_wait3A_305 : memref<1x640xf32, #tpu.memory_space<vmem_shared>> -> memref<640xf32, #tpu.memory_space<vmem_shared>>
    %dma_wait3A_307 = arith.constant 0 : i32
    %dma_wait3A_308 = tpu.memref_slice %arg9[%dma_wait3A_301, %dma_wait3A_307] : memref<16x640xf32, #tpu.memory_space<vmem>> -> memref<1x640xf32, #tpu.memory_space<vmem>>
    %dma_wait3A_309 = tpu.memref_squeeze %dma_wait3A_308 : memref<1x640xf32, #tpu.memory_space<vmem>> -> memref<640xf32, #tpu.memory_space<vmem>>
    %dma_wait3A_310 = tpu.memref_slice %arg10[%dma_wait3A_300, %mul3A_81] : memref<16x10240xf32, #tpu.memory_space<vmem_shared>> -> memref<1x640xf32, #tpu.memory_space<vmem_shared>>
    %dma_wait3A_311 = tpu.memref_squeeze %dma_wait3A_310 : memref<1x640xf32, #tpu.memory_space<vmem_shared>> -> memref<640xf32, #tpu.memory_space<vmem_shared>>
    tpu.wait_dma2 semaphore(%arg12 : memref<!tpu.dma_semaphore, #tpu.memory_space<semaphore_mem>>) src(%dma_wait3A_311 : memref<640xf32, #tpu.memory_space<vmem_shared>>) dst(%dma_wait3A_309 : memref<640xf32, #tpu.memory_space<vmem>>)
    %dma_wait3A_312 = arith.constant 3 : i32
    %dma_wait3A_313 = arith.constant 3 : i32
    %dma_wait3A_314 = arith.constant 0 : i32
    %dma_wait3A_315 = tpu.memref_slice %arg9[%dma_wait3A_313, %dma_wait3A_314] : memref<16x640xf32, #tpu.memory_space<vmem>> -> memref<1x640xf32, #tpu.memory_space<vmem>>
    %dma_wait3A_316 = tpu.memref_squeeze %dma_wait3A_315 : memref<1x640xf32, #tpu.memory_space<vmem>> -> memref<640xf32, #tpu.memory_space<vmem>>
    %dma_wait3A_317 = tpu.memref_slice %arg10[%dma_wait3A_312, %mul3A_95] : memref<16x10240xf32, #tpu.memory_space<vmem_shared>> -> memref<1x640xf32, #tpu.memory_space<vmem_shared>>
    %dma_wait3A_318 = tpu.memref_squeeze %dma_wait3A_317 : memref<1x640xf32, #tpu.memory_space<vmem_shared>> -> memref<640xf32, #tpu.memory_space<vmem_shared>>
    %dma_wait3A_319 = arith.constant 0 : i32
    %dma_wait3A_320 = tpu.memref_slice %arg9[%dma_wait3A_313, %dma_wait3A_319] : memref<16x640xf32, #tpu.memory_space<vmem>> -> memref<1x640xf32, #tpu.memory_space<vmem>>
    %dma_wait3A_321 = tpu.memref_squeeze %dma_wait3A_320 : memref<1x640xf32, #tpu.memory_space<vmem>> -> memref<640xf32, #tpu.memory_space<vmem>>
    %dma_wait3A_322 = tpu.memref_slice %arg10[%dma_wait3A_312, %mul3A_95] : memref<16x10240xf32, #tpu.memory_space<vmem_shared>> -> memref<1x640xf32, #tpu.memory_space<vmem_shared>>
    %dma_wait3A_323 = tpu.memref_squeeze %dma_wait3A_322 : memref<1x640xf32, #tpu.memory_space<vmem_shared>> -> memref<640xf32, #tpu.memory_space<vmem_shared>>
    tpu.wait_dma2 semaphore(%arg12 : memref<!tpu.dma_semaphore, #tpu.memory_space<semaphore_mem>>) src(%dma_wait3A_323 : memref<640xf32, #tpu.memory_space<vmem_shared>>) dst(%dma_wait3A_321 : memref<640xf32, #tpu.memory_space<vmem>>)
    %dma_wait3A_324 = arith.constant 4 : i32
    %dma_wait3A_325 = arith.constant 4 : i32
    %dma_wait3A_326 = arith.constant 0 : i32
    %dma_wait3A_327 = tpu.memref_slice %arg9[%dma_wait3A_325, %dma_wait3A_326] : memref<16x640xf32, #tpu.memory_space<vmem>> -> memref<1x640xf32, #tpu.memory_space<vmem>>
    %dma_wait3A_328 = tpu.memref_squeeze %dma_wait3A_327 : memref<1x640xf32, #tpu.memory_space<vmem>> -> memref<640xf32, #tpu.memory_space<vmem>>
    %dma_wait3A_329 = tpu.memref_slice %arg10[%dma_wait3A_324, %mul3A_109] : memref<16x10240xf32, #tpu.memory_space<vmem_shared>> -> memref<1x640xf32, #tpu.memory_space<vmem_shared>>
    %dma_wait3A_330 = tpu.memref_squeeze %dma_wait3A_329 : memref<1x640xf32, #tpu.memory_space<vmem_shared>> -> memref<640xf32, #tpu.memory_space<vmem_shared>>
    %dma_wait3A_331 = arith.constant 0 : i32
    %dma_wait3A_332 = tpu.memref_slice %arg9[%dma_wait3A_325, %dma_wait3A_331] : memref<16x640xf32, #tpu.memory_space<vmem>> -> memref<1x640xf32, #tpu.memory_space<vmem>>
    %dma_wait3A_333 = tpu.memref_squeeze %dma_wait3A_332 : memref<1x640xf32, #tpu.memory_space<vmem>> -> memref<640xf32, #tpu.memory_space<vmem>>
    %dma_wait3A_334 = tpu.memref_slice %arg10[%dma_wait3A_324, %mul3A_109] : memref<16x10240xf32, #tpu.memory_space<vmem_shared>> -> memref<1x640xf32, #tpu.memory_space<vmem_shared>>
    %dma_wait3A_335 = tpu.memref_squeeze %dma_wait3A_334 : memref<1x640xf32, #tpu.memory_space<vmem_shared>> -> memref<640xf32, #tpu.memory_space<vmem_shared>>
    tpu.wait_dma2 semaphore(%arg12 : memref<!tpu.dma_semaphore, #tpu.memory_space<semaphore_mem>>) src(%dma_wait3A_335 : memref<640xf32, #tpu.memory_space<vmem_shared>>) dst(%dma_wait3A_333 : memref<640xf32, #tpu.memory_space<vmem>>)
    %dma_wait3A_336 = arith.constant 5 : i32
    %dma_wait3A_337 = arith.constant 5 : i32
    %dma_wait3A_338 = arith.constant 0 : i32
    %dma_wait3A_339 = tpu.memref_slice %arg9[%dma_wait3A_337, %dma_wait3A_338] : memref<16x640xf32, #tpu.memory_space<vmem>> -> memref<1x640xf32, #tpu.memory_space<vmem>>
    %dma_wait3A_340 = tpu.memref_squeeze %dma_wait3A_339 : memref<1x640xf32, #tpu.memory_space<vmem>> -> memref<640xf32, #tpu.memory_space<vmem>>
    %dma_wait3A_341 = tpu.memref_slice %arg10[%dma_wait3A_336, %mul3A_123] : memref<16x10240xf32, #tpu.memory_space<vmem_shared>> -> memref<1x640xf32, #tpu.memory_space<vmem_shared>>
    %dma_wait3A_342 = tpu.memref_squeeze %dma_wait3A_341 : memref<1x640xf32, #tpu.memory_space<vmem_shared>> -> memref<640xf32, #tpu.memory_space<vmem_shared>>
    %dma_wait3A_343 = arith.constant 0 : i32
    %dma_wait3A_344 = tpu.memref_slice %arg9[%dma_wait3A_337, %dma_wait3A_343] : memref<16x640xf32, #tpu.memory_space<vmem>> -> memref<1x640xf32, #tpu.memory_space<vmem>>
    %dma_wait3A_345 = tpu.memref_squeeze %dma_wait3A_344 : memref<1x640xf32, #tpu.memory_space<vmem>> -> memref<640xf32, #tpu.memory_space<vmem>>
    %dma_wait3A_346 = tpu.memref_slice %arg10[%dma_wait3A_336, %mul3A_123] : memref<16x10240xf32, #tpu.memory_space<vmem_shared>> -> memref<1x640xf32, #tpu.memory_space<vmem_shared>>
    %dma_wait3A_347 = tpu.memref_squeeze %dma_wait3A_346 : memref<1x640xf32, #tpu.memory_space<vmem_shared>> -> memref<640xf32, #tpu.memory_space<vmem_shared>>
    tpu.wait_dma2 semaphore(%arg12 : memref<!tpu.dma_semaphore, #tpu.memory_space<semaphore_mem>>) src(%dma_wait3A_347 : memref<640xf32, #tpu.memory_space<vmem_shared>>) dst(%dma_wait3A_345 : memref<640xf32, #tpu.memory_space<vmem>>)
    %dma_wait3A_348 = arith.constant 6 : i32
    %dma_wait3A_349 = arith.constant 6 : i32
    %dma_wait3A_350 = arith.constant 0 : i32
    %dma_wait3A_351 = tpu.memref_slice %arg9[%dma_wait3A_349, %dma_wait3A_350] : memref<16x640xf32, #tpu.memory_space<vmem>> -> memref<1x640xf32, #tpu.memory_space<vmem>>
    %dma_wait3A_352 = tpu.memref_squeeze %dma_wait3A_351 : memref<1x640xf32, #tpu.memory_space<vmem>> -> memref<640xf32, #tpu.memory_space<vmem>>
    %dma_wait3A_353 = tpu.memref_slice %arg10[%dma_wait3A_348, %mul3A_137] : memref<16x10240xf32, #tpu.memory_space<vmem_shared>> -> memref<1x640xf32, #tpu.memory_space<vmem_shared>>
    %dma_wait3A_354 = tpu.memref_squeeze %dma_wait3A_353 : memref<1x640xf32, #tpu.memory_space<vmem_shared>> -> memref<640xf32, #tpu.memory_space<vmem_shared>>
    %dma_wait3A_355 = arith.constant 0 : i32
    %dma_wait3A_356 = tpu.memref_slice %arg9[%dma_wait3A_349, %dma_wait3A_355] : memref<16x640xf32, #tpu.memory_space<vmem>> -> memref<1x640xf32, #tpu.memory_space<vmem>>
    %dma_wait3A_357 = tpu.memref_squeeze %dma_wait3A_356 : memref<1x640xf32, #tpu.memory_space<vmem>> -> memref<640xf32, #tpu.memory_space<vmem>>
    %dma_wait3A_358 = tpu.memref_slice %arg10[%dma_wait3A_348, %mul3A_137] : memref<16x10240xf32, #tpu.memory_space<vmem_shared>> -> memref<1x640xf32, #tpu.memory_space<vmem_shared>>
    %dma_wait3A_359 = tpu.memref_squeeze %dma_wait3A_358 : memref<1x640xf32, #tpu.memory_space<vmem_shared>> -> memref<640xf32, #tpu.memory_space<vmem_shared>>
    tpu.wait_dma2 semaphore(%arg12 : memref<!tpu.dma_semaphore, #tpu.memory_space<semaphore_mem>>) src(%dma_wait3A_359 : memref<640xf32, #tpu.memory_space<vmem_shared>>) dst(%dma_wait3A_357 : memref<640xf32, #tpu.memory_space<vmem>>)
    %dma_wait3A_360 = arith.constant 7 : i32
    %dma_wait3A_361 = arith.constant 7 : i32
    %dma_wait3A_362 = arith.constant 0 : i32
    %dma_wait3A_363 = tpu.memref_slice %arg9[%dma_wait3A_361, %dma_wait3A_362] : memref<16x640xf32, #tpu.memory_space<vmem>> -> memref<1x640xf32, #tpu.memory_space<vmem>>
    %dma_wait3A_364 = tpu.memref_squeeze %dma_wait3A_363 : memref<1x640xf32, #tpu.memory_space<vmem>> -> memref<640xf32, #tpu.memory_space<vmem>>
    %dma_wait3A_365 = tpu.memref_slice %arg10[%dma_wait3A_360, %mul3A_151] : memref<16x10240xf32, #tpu.memory_space<vmem_shared>> -> memref<1x640xf32, #tpu.memory_space<vmem_shared>>
    %dma_wait3A_366 = tpu.memref_squeeze %dma_wait3A_365 : memref<1x640xf32, #tpu.memory_space<vmem_shared>> -> memref<640xf32, #tpu.memory_space<vmem_shared>>
    %dma_wait3A_367 = arith.constant 0 : i32
    %dma_wait3A_368 = tpu.memref_slice %arg9[%dma_wait3A_361, %dma_wait3A_367] : memref<16x640xf32, #tpu.memory_space<vmem>> -> memref<1x640xf32, #tpu.memory_space<vmem>>
    %dma_wait3A_369 = tpu.memref_squeeze %dma_wait3A_368 : memref<1x640xf32, #tpu.memory_space<vmem>> -> memref<640xf32, #tpu.memory_space<vmem>>
    %dma_wait3A_370 = tpu.memref_slice %arg10[%dma_wait3A_360, %mul3A_151] : memref<16x10240xf32, #tpu.memory_space<vmem_shared>> -> memref<1x640xf32, #tpu.memory_space<vmem_shared>>
    %dma_wait3A_371 = tpu.memref_squeeze %dma_wait3A_370 : memref<1x640xf32, #tpu.memory_space<vmem_shared>> -> memref<640xf32, #tpu.memory_space<vmem_shared>>
    tpu.wait_dma2 semaphore(%arg12 : memref<!tpu.dma_semaphore, #tpu.memory_space<semaphore_mem>>) src(%dma_wait3A_371 : memref<640xf32, #tpu.memory_space<vmem_shared>>) dst(%dma_wait3A_369 : memref<640xf32, #tpu.memory_space<vmem>>)
    %dma_wait3A_372 = arith.constant 8 : i32
    %dma_wait3A_373 = arith.constant 8 : i32
    %dma_wait3A_374 = arith.constant 0 : i32
    %dma_wait3A_375 = tpu.memref_slice %arg9[%dma_wait3A_373, %dma_wait3A_374] : memref<16x640xf32, #tpu.memory_space<vmem>> -> memref<1x640xf32, #tpu.memory_space<vmem>>
    %dma_wait3A_376 = tpu.memref_squeeze %dma_wait3A_375 : memref<1x640xf32, #tpu.memory_space<vmem>> -> memref<640xf32, #tpu.memory_space<vmem>>
    %dma_wait3A_377 = tpu.memref_slice %arg10[%dma_wait3A_372, %mul3A_165] : memref<16x10240xf32, #tpu.memory_space<vmem_shared>> -> memref<1x640xf32, #tpu.memory_space<vmem_shared>>
    %dma_wait3A_378 = tpu.memref_squeeze %dma_wait3A_377 : memref<1x640xf32, #tpu.memory_space<vmem_shared>> -> memref<640xf32, #tpu.memory_space<vmem_shared>>
    %dma_wait3A_379 = arith.constant 0 : i32
    %dma_wait3A_380 = tpu.memref_slice %arg9[%dma_wait3A_373, %dma_wait3A_379] : memref<16x640xf32, #tpu.memory_space<vmem>> -> memref<1x640xf32, #tpu.memory_space<vmem>>
    %dma_wait3A_381 = tpu.memref_squeeze %dma_wait3A_380 : memref<1x640xf32, #tpu.memory_space<vmem>> -> memref<640xf32, #tpu.memory_space<vmem>>
    %dma_wait3A_382 = tpu.memref_slice %arg10[%dma_wait3A_372, %mul3A_165] : memref<16x10240xf32, #tpu.memory_space<vmem_shared>> -> memref<1x640xf32, #tpu.memory_space<vmem_shared>>
    %dma_wait3A_383 = tpu.memref_squeeze %dma_wait3A_382 : memref<1x640xf32, #tpu.memory_space<vmem_shared>> -> memref<640xf32, #tpu.memory_space<vmem_shared>>
    tpu.wait_dma2 semaphore(%arg12 : memref<!tpu.dma_semaphore, #tpu.memory_space<semaphore_mem>>) src(%dma_wait3A_383 : memref<640xf32, #tpu.memory_space<vmem_shared>>) dst(%dma_wait3A_381 : memref<640xf32, #tpu.memory_space<vmem>>)
    %dma_wait3A_384 = arith.constant 9 : i32
    %dma_wait3A_385 = arith.constant 9 : i32
    %dma_wait3A_386 = arith.constant 0 : i32
    %dma_wait3A_387 = tpu.memref_slice %arg9[%dma_wait3A_385, %dma_wait3A_386] : memref<16x640xf32, #tpu.memory_space<vmem>> -> memref<1x640xf32, #tpu.memory_space<vmem>>
    %dma_wait3A_388 = tpu.memref_squeeze %dma_wait3A_387 : memref<1x640xf32, #tpu.memory_space<vmem>> -> memref<640xf32, #tpu.memory_space<vmem>>
    %dma_wait3A_389 = tpu.memref_slice %arg10[%dma_wait3A_384, %mul3A_179] : memref<16x10240xf32, #tpu.memory_space<vmem_shared>> -> memref<1x640xf32, #tpu.memory_space<vmem_shared>>
    %dma_wait3A_390 = tpu.memref_squeeze %dma_wait3A_389 : memref<1x640xf32, #tpu.memory_space<vmem_shared>> -> memref<640xf32, #tpu.memory_space<vmem_shared>>
    %dma_wait3A_391 = arith.constant 0 : i32
    %dma_wait3A_392 = tpu.memref_slice %arg9[%dma_wait3A_385, %dma_wait3A_391] : memref<16x640xf32, #tpu.memory_space<vmem>> -> memref<1x640xf32, #tpu.memory_space<vmem>>
    %dma_wait3A_393 = tpu.memref_squeeze %dma_wait3A_392 : memref<1x640xf32, #tpu.memory_space<vmem>> -> memref<640xf32, #tpu.memory_space<vmem>>
    %dma_wait3A_394 = tpu.memref_slice %arg10[%dma_wait3A_384, %mul3A_179] : memref<16x10240xf32, #tpu.memory_space<vmem_shared>> -> memref<1x640xf32, #tpu.memory_space<vmem_shared>>
    %dma_wait3A_395 = tpu.memref_squeeze %dma_wait3A_394 : memref<1x640xf32, #tpu.memory_space<vmem_shared>> -> memref<640xf32, #tpu.memory_space<vmem_shared>>
    tpu.wait_dma2 semaphore(%arg12 : memref<!tpu.dma_semaphore, #tpu.memory_space<semaphore_mem>>) src(%dma_wait3A_395 : memref<640xf32, #tpu.memory_space<vmem_shared>>) dst(%dma_wait3A_393 : memref<640xf32, #tpu.memory_space<vmem>>)
    %dma_wait3A_396 = arith.constant 10 : i32
    %dma_wait3A_397 = arith.constant 10 : i32
    %dma_wait3A_398 = arith.constant 0 : i32
    %dma_wait3A_399 = tpu.memref_slice %arg9[%dma_wait3A_397, %dma_wait3A_398] : memref<16x640xf32, #tpu.memory_space<vmem>> -> memref<1x640xf32, #tpu.memory_space<vmem>>
    %dma_wait3A_400 = tpu.memref_squeeze %dma_wait3A_399 : memref<1x640xf32, #tpu.memory_space<vmem>> -> memref<640xf32, #tpu.memory_space<vmem>>
    %dma_wait3A_401 = tpu.memref_slice %arg10[%dma_wait3A_396, %mul3A_193] : memref<16x10240xf32, #tpu.memory_space<vmem_shared>> -> memref<1x640xf32, #tpu.memory_space<vmem_shared>>
    %dma_wait3A_402 = tpu.memref_squeeze %dma_wait3A_401 : memref<1x640xf32, #tpu.memory_space<vmem_shared>> -> memref<640xf32, #tpu.memory_space<vmem_shared>>
    %dma_wait3A_403 = arith.constant 0 : i32
    %dma_wait3A_404 = tpu.memref_slice %arg9[%dma_wait3A_397, %dma_wait3A_403] : memref<16x640xf32, #tpu.memory_space<vmem>> -> memref<1x640xf32, #tpu.memory_space<vmem>>
    %dma_wait3A_405 = tpu.memref_squeeze %dma_wait3A_404 : memref<1x640xf32, #tpu.memory_space<vmem>> -> memref<640xf32, #tpu.memory_space<vmem>>
    %dma_wait3A_406 = tpu.memref_slice %arg10[%dma_wait3A_396, %mul3A_193] : memref<16x10240xf32, #tpu.memory_space<vmem_shared>> -> memref<1x640xf32, #tpu.memory_space<vmem_shared>>
    %dma_wait3A_407 = tpu.memref_squeeze %dma_wait3A_406 : memref<1x640xf32, #tpu.memory_space<vmem_shared>> -> memref<640xf32, #tpu.memory_space<vmem_shared>>
    tpu.wait_dma2 semaphore(%arg12 : memref<!tpu.dma_semaphore, #tpu.memory_space<semaphore_mem>>) src(%dma_wait3A_407 : memref<640xf32, #tpu.memory_space<vmem_shared>>) dst(%dma_wait3A_405 : memref<640xf32, #tpu.memory_space<vmem>>)
    %dma_wait3A_408 = arith.constant 11 : i32
    %dma_wait3A_409 = arith.constant 11 : i32
    %dma_wait3A_410 = arith.constant 0 : i32
    %dma_wait3A_411 = tpu.memref_slice %arg9[%dma_wait3A_409, %dma_wait3A_410] : memref<16x640xf32, #tpu.memory_space<vmem>> -> memref<1x640xf32, #tpu.memory_space<vmem>>
    %dma_wait3A_412 = tpu.memref_squeeze %dma_wait3A_411 : memref<1x640xf32, #tpu.memory_space<vmem>> -> memref<640xf32, #tpu.memory_space<vmem>>
    %dma_wait3A_413 = tpu.memref_slice %arg10[%dma_wait3A_408, %mul3A_207] : memref<16x10240xf32, #tpu.memory_space<vmem_shared>> -> memref<1x640xf32, #tpu.memory_space<vmem_shared>>
    %dma_wait3A_414 = tpu.memref_squeeze %dma_wait3A_413 : memref<1x640xf32, #tpu.memory_space<vmem_shared>> -> memref<640xf32, #tpu.memory_space<vmem_shared>>
    %dma_wait3A_415 = arith.constant 0 : i32
    %dma_wait3A_416 = tpu.memref_slice %arg9[%dma_wait3A_409, %dma_wait3A_415] : memref<16x640xf32, #tpu.memory_space<vmem>> -> memref<1x640xf32, #tpu.memory_space<vmem>>
    %dma_wait3A_417 = tpu.memref_squeeze %dma_wait3A_416 : memref<1x640xf32, #tpu.memory_space<vmem>> -> memref<640xf32, #tpu.memory_space<vmem>>
    %dma_wait3A_418 = tpu.memref_slice %arg10[%dma_wait3A_408, %mul3A_207] : memref<16x10240xf32, #tpu.memory_space<vmem_shared>> -> memref<1x640xf32, #tpu.memory_space<vmem_shared>>
    %dma_wait3A_419 = tpu.memref_squeeze %dma_wait3A_418 : memref<1x640xf32, #tpu.memory_space<vmem_shared>> -> memref<640xf32, #tpu.memory_space<vmem_shared>>
    tpu.wait_dma2 semaphore(%arg12 : memref<!tpu.dma_semaphore, #tpu.memory_space<semaphore_mem>>) src(%dma_wait3A_419 : memref<640xf32, #tpu.memory_space<vmem_shared>>) dst(%dma_wait3A_417 : memref<640xf32, #tpu.memory_space<vmem>>)
    %dma_wait3A_420 = arith.constant 12 : i32
    %dma_wait3A_421 = arith.constant 12 : i32
    %dma_wait3A_422 = arith.constant 0 : i32
    %dma_wait3A_423 = tpu.memref_slice %arg9[%dma_wait3A_421, %dma_wait3A_422] : memref<16x640xf32, #tpu.memory_space<vmem>> -> memref<1x640xf32, #tpu.memory_space<vmem>>
    %dma_wait3A_424 = tpu.memref_squeeze %dma_wait3A_423 : memref<1x640xf32, #tpu.memory_space<vmem>> -> memref<640xf32, #tpu.memory_space<vmem>>
    %dma_wait3A_425 = tpu.memref_slice %arg10[%dma_wait3A_420, %mul3A_221] : memref<16x10240xf32, #tpu.memory_space<vmem_shared>> -> memref<1x640xf32, #tpu.memory_space<vmem_shared>>
    %dma_wait3A_426 = tpu.memref_squeeze %dma_wait3A_425 : memref<1x640xf32, #tpu.memory_space<vmem_shared>> -> memref<640xf32, #tpu.memory_space<vmem_shared>>
    %dma_wait3A_427 = arith.constant 0 : i32
    %dma_wait3A_428 = tpu.memref_slice %arg9[%dma_wait3A_421, %dma_wait3A_427] : memref<16x640xf32, #tpu.memory_space<vmem>> -> memref<1x640xf32, #tpu.memory_space<vmem>>
    %dma_wait3A_429 = tpu.memref_squeeze %dma_wait3A_428 : memref<1x640xf32, #tpu.memory_space<vmem>> -> memref<640xf32, #tpu.memory_space<vmem>>
    %dma_wait3A_430 = tpu.memref_slice %arg10[%dma_wait3A_420, %mul3A_221] : memref<16x10240xf32, #tpu.memory_space<vmem_shared>> -> memref<1x640xf32, #tpu.memory_space<vmem_shared>>
    %dma_wait3A_431 = tpu.memref_squeeze %dma_wait3A_430 : memref<1x640xf32, #tpu.memory_space<vmem_shared>> -> memref<640xf32, #tpu.memory_space<vmem_shared>>
    tpu.wait_dma2 semaphore(%arg12 : memref<!tpu.dma_semaphore, #tpu.memory_space<semaphore_mem>>) src(%dma_wait3A_431 : memref<640xf32, #tpu.memory_space<vmem_shared>>) dst(%dma_wait3A_429 : memref<640xf32, #tpu.memory_space<vmem>>)
    %dma_wait3A_432 = arith.constant 13 : i32
    %dma_wait3A_433 = arith.constant 13 : i32
    %dma_wait3A_434 = arith.constant 0 : i32
    %dma_wait3A_435 = tpu.memref_slice %arg9[%dma_wait3A_433, %dma_wait3A_434] : memref<16x640xf32, #tpu.memory_space<vmem>> -> memref<1x640xf32, #tpu.memory_space<vmem>>
    %dma_wait3A_436 = tpu.memref_squeeze %dma_wait3A_435 : memref<1x640xf32, #tpu.memory_space<vmem>> -> memref<640xf32, #tpu.memory_space<vmem>>
    %dma_wait3A_437 = tpu.memref_slice %arg10[%dma_wait3A_432, %mul3A_235] : memref<16x10240xf32, #tpu.memory_space<vmem_shared>> -> memref<1x640xf32, #tpu.memory_space<vmem_shared>>
    %dma_wait3A_438 = tpu.memref_squeeze %dma_wait3A_437 : memref<1x640xf32, #tpu.memory_space<vmem_shared>> -> memref<640xf32, #tpu.memory_space<vmem_shared>>
    %dma_wait3A_439 = arith.constant 0 : i32
    %dma_wait3A_440 = tpu.memref_slice %arg9[%dma_wait3A_433, %dma_wait3A_439] : memref<16x640xf32, #tpu.memory_space<vmem>> -> memref<1x640xf32, #tpu.memory_space<vmem>>
    %dma_wait3A_441 = tpu.memref_squeeze %dma_wait3A_440 : memref<1x640xf32, #tpu.memory_space<vmem>> -> memref<640xf32, #tpu.memory_space<vmem>>
    %dma_wait3A_442 = tpu.memref_slice %arg10[%dma_wait3A_432, %mul3A_235] : memref<16x10240xf32, #tpu.memory_space<vmem_shared>> -> memref<1x640xf32, #tpu.memory_space<vmem_shared>>
    %dma_wait3A_443 = tpu.memref_squeeze %dma_wait3A_442 : memref<1x640xf32, #tpu.memory_space<vmem_shared>> -> memref<640xf32, #tpu.memory_space<vmem_shared>>
    tpu.wait_dma2 semaphore(%arg12 : memref<!tpu.dma_semaphore, #tpu.memory_space<semaphore_mem>>) src(%dma_wait3A_443 : memref<640xf32, #tpu.memory_space<vmem_shared>>) dst(%dma_wait3A_441 : memref<640xf32, #tpu.memory_space<vmem>>)
    %dma_wait3A_444 = arith.constant 14 : i32
    %dma_wait3A_445 = arith.constant 14 : i32
    %dma_wait3A_446 = arith.constant 0 : i32
    %dma_wait3A_447 = tpu.memref_slice %arg9[%dma_wait3A_445, %dma_wait3A_446] : memref<16x640xf32, #tpu.memory_space<vmem>> -> memref<1x640xf32, #tpu.memory_space<vmem>>
    %dma_wait3A_448 = tpu.memref_squeeze %dma_wait3A_447 : memref<1x640xf32, #tpu.memory_space<vmem>> -> memref<640xf32, #tpu.memory_space<vmem>>
    %dma_wait3A_449 = tpu.memref_slice %arg10[%dma_wait3A_444, %mul3A_249] : memref<16x10240xf32, #tpu.memory_space<vmem_shared>> -> memref<1x640xf32, #tpu.memory_space<vmem_shared>>
    %dma_wait3A_450 = tpu.memref_squeeze %dma_wait3A_449 : memref<1x640xf32, #tpu.memory_space<vmem_shared>> -> memref<640xf32, #tpu.memory_space<vmem_shared>>
    %dma_wait3A_451 = arith.constant 0 : i32
    %dma_wait3A_452 = tpu.memref_slice %arg9[%dma_wait3A_445, %dma_wait3A_451] : memref<16x640xf32, #tpu.memory_space<vmem>> -> memref<1x640xf32, #tpu.memory_space<vmem>>
    %dma_wait3A_453 = tpu.memref_squeeze %dma_wait3A_452 : memref<1x640xf32, #tpu.memory_space<vmem>> -> memref<640xf32, #tpu.memory_space<vmem>>
    %dma_wait3A_454 = tpu.memref_slice %arg10[%dma_wait3A_444, %mul3A_249] : memref<16x10240xf32, #tpu.memory_space<vmem_shared>> -> memref<1x640xf32, #tpu.memory_space<vmem_shared>>
    %dma_wait3A_455 = tpu.memref_squeeze %dma_wait3A_454 : memref<1x640xf32, #tpu.memory_space<vmem_shared>> -> memref<640xf32, #tpu.memory_space<vmem_shared>>
    tpu.wait_dma2 semaphore(%arg12 : memref<!tpu.dma_semaphore, #tpu.memory_space<semaphore_mem>>) src(%dma_wait3A_455 : memref<640xf32, #tpu.memory_space<vmem_shared>>) dst(%dma_wait3A_453 : memref<640xf32, #tpu.memory_space<vmem>>)
    %dma_wait3A_456 = arith.constant 15 : i32
    %dma_wait3A_457 = arith.constant 15 : i32
    %dma_wait3A_458 = arith.constant 0 : i32
    %dma_wait3A_459 = tpu.memref_slice %arg9[%dma_wait3A_457, %dma_wait3A_458] : memref<16x640xf32, #tpu.memory_space<vmem>> -> memref<1x640xf32, #tpu.memory_space<vmem>>
    %dma_wait3A_460 = tpu.memref_squeeze %dma_wait3A_459 : memref<1x640xf32, #tpu.memory_space<vmem>> -> memref<640xf32, #tpu.memory_space<vmem>>
    %dma_wait3A_461 = tpu.memref_slice %arg10[%dma_wait3A_456, %mul3A_263] : memref<16x10240xf32, #tpu.memory_space<vmem_shared>> -> memref<1x640xf32, #tpu.memory_space<vmem_shared>>
    %dma_wait3A_462 = tpu.memref_squeeze %dma_wait3A_461 : memref<1x640xf32, #tpu.memory_space<vmem_shared>> -> memref<640xf32, #tpu.memory_space<vmem_shared>>
    %dma_wait3A_463 = arith.constant 0 : i32
    %dma_wait3A_464 = tpu.memref_slice %arg9[%dma_wait3A_457, %dma_wait3A_463] : memref<16x640xf32, #tpu.memory_space<vmem>> -> memref<1x640xf32, #tpu.memory_space<vmem>>
    %dma_wait3A_465 = tpu.memref_squeeze %dma_wait3A_464 : memref<1x640xf32, #tpu.memory_space<vmem>> -> memref<640xf32, #tpu.memory_space<vmem>>
    %dma_wait3A_466 = tpu.memref_slice %arg10[%dma_wait3A_456, %mul3A_263] : memref<16x10240xf32, #tpu.memory_space<vmem_shared>> -> memref<1x640xf32, #tpu.memory_space<vmem_shared>>
    %dma_wait3A_467 = tpu.memref_squeeze %dma_wait3A_466 : memref<1x640xf32, #tpu.memory_space<vmem_shared>> -> memref<640xf32, #tpu.memory_space<vmem_shared>>
    tpu.wait_dma2 semaphore(%arg12 : memref<!tpu.dma_semaphore, #tpu.memory_space<semaphore_mem>>) src(%dma_wait3A_467 : memref<640xf32, #tpu.memory_space<vmem_shared>>) dst(%dma_wait3A_465 : memref<640xf32, #tpu.memory_space<vmem>>)
    %scan3A_468 = arith.constant 0 : i32
    %scan3A_469 = arith.constant 0 : i32
    %scan3A_470 = arith.constant 40 : i32
    %scan3A_471 = arith.addi %scan3A_469, %scan3A_470 : i32
    %scan3A_472 = arith.constant 1 : i32
    %scan3A_473 = scf.for %scan3A_489 = %scan3A_469 to %scan3A_471 step %scan3A_472 iter_args(%scan3A_490 = %scan3A_468) -> (i32)  : i32 {
      %mul3A_491 = arith.constant 16 : i32
      %mul3A_492 = arith.muli %scan3A_489, %mul3A_491 : i32
      %get3A = arith.constant 0 : i32
      %get3A_493 = arith.index_cast %get3A : i32 to index
      %get3A_494 = arith.index_cast %mul3A_492 : i32 to index
      %get3A_495 = tpu.vector_load %arg9[%get3A_493, %get3A_494] {strides = array<i32>} : memref<16x640xf32, #tpu.memory_space<vmem>>, vector<16xf32>,
      %mul3A_496 = arith.constant 16 : i32
      %mul3A_497 = arith.muli %scan3A_489, %mul3A_496 : i32
      %get3A_498 = arith.constant 1 : i32
      %get3A_499 = arith.index_cast %get3A_498 : i32 to index
      %get3A_500 = arith.index_cast %mul3A_497 : i32 to index
      %get3A_501 = tpu.vector_load %arg9[%get3A_499, %get3A_500] {strides = array<i32>} : memref<16x640xf32, #tpu.memory_space<vmem>>, vector<16xf32>,
      %add3A_502 = arith.addf %get3A_495, %get3A_501 : vector<16xf32>
      %mul3A_503 = arith.constant 16 : i32
      %mul3A_504 = arith.muli %scan3A_489, %mul3A_503 : i32
      %get3A_505 = arith.constant 2 : i32
      %get3A_506 = arith.index_cast %get3A_505 : i32 to index
      %get3A_507 = arith.index_cast %mul3A_504 : i32 to index
      %get3A_508 = tpu.vector_load %arg9[%get3A_506, %get3A_507] {strides = array<i32>} : memref<16x640xf32, #tpu.memory_space<vmem>>, vector<16xf32>,
      %add3A_509 = arith.addf %add3A_502, %get3A_508 : vector<16xf32>
      %mul3A_510 = arith.constant 16 : i32
      %mul3A_511 = arith.muli %scan3A_489, %mul3A_510 : i32
      %get3A_512 = arith.constant 3 : i32
      %get3A_513 = arith.index_cast %get3A_512 : i32 to index
      %get3A_514 = arith.index_cast %mul3A_511 : i32 to index
      %get3A_515 = tpu.vector_load %arg9[%get3A_513, %get3A_514] {strides = array<i32>} : memref<16x640xf32, #tpu.memory_space<vmem>>, vector<16xf32>,
      %add3A_516 = arith.addf %add3A_509, %get3A_515 : vector<16xf32>
      %mul3A_517 = arith.constant 16 : i32
      %mul3A_518 = arith.muli %scan3A_489, %mul3A_517 : i32
      %get3A_519 = arith.constant 4 : i32
      %get3A_520 = arith.index_cast %get3A_519 : i32 to index
      %get3A_521 = arith.index_cast %mul3A_518 : i32 to index
      %get3A_522 = tpu.vector_load %arg9[%get3A_520, %get3A_521] {strides = array<i32>} : memref<16x640xf32, #tpu.memory_space<vmem>>, vector<16xf32>,
      %add3A_523 = arith.addf %add3A_516, %get3A_522 : vector<16xf32>
      %mul3A_524 = arith.constant 16 : i32
      %mul3A_525 = arith.muli %scan3A_489, %mul3A_524 : i32
      %get3A_526 = arith.constant 5 : i32
      %get3A_527 = arith.index_cast %get3A_526 : i32 to index
      %get3A_528 = arith.index_cast %mul3A_525 : i32 to index
      %get3A_529 = tpu.vector_load %arg9[%get3A_527, %get3A_528] {strides = array<i32>} : memref<16x640xf32, #tpu.memory_space<vmem>>, vector<16xf32>,
      %add3A_530 = arith.addf %add3A_523, %get3A_529 : vector<16xf32>
      %mul3A_531 = arith.constant 16 : i32
      %mul3A_532 = arith.muli %scan3A_489, %mul3A_531 : i32
      %get3A_533 = arith.constant 6 : i32
      %get3A_534 = arith.index_cast %get3A_533 : i32 to index
      %get3A_535 = arith.index_cast %mul3A_532 : i32 to index
      %get3A_536 = tpu.vector_load %arg9[%get3A_534, %get3A_535] {strides = array<i32>} : memref<16x640xf32, #tpu.memory_space<vmem>>, vector<16xf32>,
      %add3A_537 = arith.addf %add3A_530, %get3A_536 : vector<16xf32>
      %mul3A_538 = arith.constant 16 : i32
      %mul3A_539 = arith.muli %scan3A_489, %mul3A_538 : i32
      %get3A_540 = arith.constant 7 : i32
      %get3A_541 = arith.index_cast %get3A_540 : i32 to index
      %get3A_542 = arith.index_cast %mul3A_539 : i32 to index
      %get3A_543 = tpu.vector_load %arg9[%get3A_541, %get3A_542] {strides = array<i32>} : memref<16x640xf32, #tpu.memory_space<vmem>>, vector<16xf32>,
      %add3A_544 = arith.addf %add3A_537, %get3A_543 : vector<16xf32>
      %mul3A_545 = arith.constant 16 : i32
      %mul3A_546 = arith.muli %scan3A_489, %mul3A_545 : i32
      %get3A_547 = arith.constant 8 : i32
      %get3A_548 = arith.index_cast %get3A_547 : i32 to index
      %get3A_549 = arith.index_cast %mul3A_546 : i32 to index
      %get3A_550 = tpu.vector_load %arg9[%get3A_548, %get3A_549] {strides = array<i32>} : memref<16x640xf32, #tpu.memory_space<vmem>>, vector<16xf32>,
      %add3A_551 = arith.addf %add3A_544, %get3A_550 : vector<16xf32>
      %mul3A_552 = arith.constant 16 : i32
      %mul3A_553 = arith.muli %scan3A_489, %mul3A_552 : i32
      %get3A_554 = arith.constant 9 : i32
      %get3A_555 = arith.index_cast %get3A_554 : i32 to index
      %get3A_556 = arith.index_cast %mul3A_553 : i32 to index
      %get3A_557 = tpu.vector_load %arg9[%get3A_555, %get3A_556] {strides = array<i32>} : memref<16x640xf32, #tpu.memory_space<vmem>>, vector<16xf32>,
      %add3A_558 = arith.addf %add3A_551, %get3A_557 : vector<16xf32>
      %mul3A_559 = arith.constant 16 : i32
      %mul3A_560 = arith.muli %scan3A_489, %mul3A_559 : i32
      %get3A_561 = arith.constant 10 : i32
      %get3A_562 = arith.index_cast %get3A_561 : i32 to index
      %get3A_563 = arith.index_cast %mul3A_560 : i32 to index
      %get3A_564 = tpu.vector_load %arg9[%get3A_562, %get3A_563] {strides = array<i32>} : memref<16x640xf32, #tpu.memory_space<vmem>>, vector<16xf32>,
      %add3A_565 = arith.addf %add3A_558, %get3A_564 : vector<16xf32>
      %mul3A_566 = arith.constant 16 : i32
      %mul3A_567 = arith.muli %scan3A_489, %mul3A_566 : i32
      %get3A_568 = arith.constant 11 : i32
      %get3A_569 = arith.index_cast %get3A_568 : i32 to index
      %get3A_570 = arith.index_cast %mul3A_567 : i32 to index
      %get3A_571 = tpu.vector_load %arg9[%get3A_569, %get3A_570] {strides = array<i32>} : memref<16x640xf32, #tpu.memory_space<vmem>>, vector<16xf32>,
      %add3A_572 = arith.addf %add3A_565, %get3A_571 : vector<16xf32>
      %mul3A_573 = arith.constant 16 : i32
      %mul3A_574 = arith.muli %scan3A_489, %mul3A_573 : i32
      %get3A_575 = arith.constant 12 : i32
      %get3A_576 = arith.index_cast %get3A_575 : i32 to index
      %get3A_577 = arith.index_cast %mul3A_574 : i32 to index
      %get3A_578 = tpu.vector_load %arg9[%get3A_576, %get3A_577] {strides = array<i32>} : memref<16x640xf32, #tpu.memory_space<vmem>>, vector<16xf32>,
      %add3A_579 = arith.addf %add3A_572, %get3A_578 : vector<16xf32>
      %mul3A_580 = arith.constant 16 : i32
      %mul3A_581 = arith.muli %scan3A_489, %mul3A_580 : i32
      %get3A_582 = arith.constant 13 : i32
      %get3A_583 = arith.index_cast %get3A_582 : i32 to index
      %get3A_584 = arith.index_cast %mul3A_581 : i32 to index
      %get3A_585 = tpu.vector_load %arg9[%get3A_583, %get3A_584] {strides = array<i32>} : memref<16x640xf32, #tpu.memory_space<vmem>>, vector<16xf32>,
      %add3A_586 = arith.addf %add3A_579, %get3A_585 : vector<16xf32>
      %mul3A_587 = arith.constant 16 : i32
      %mul3A_588 = arith.muli %scan3A_489, %mul3A_587 : i32
      %get3A_589 = arith.constant 14 : i32
      %get3A_590 = arith.index_cast %get3A_589 : i32 to index
      %get3A_591 = arith.index_cast %mul3A_588 : i32 to index
      %get3A_592 = tpu.vector_load %arg9[%get3A_590, %get3A_591] {strides = array<i32>} : memref<16x640xf32, #tpu.memory_space<vmem>>, vector<16xf32>,
      %add3A_593 = arith.addf %add3A_586, %get3A_592 : vector<16xf32>
      %mul3A_594 = arith.constant 16 : i32
      %mul3A_595 = arith.muli %scan3A_489, %mul3A_594 : i32
      %get3A_596 = arith.constant 15 : i32
      %get3A_597 = arith.index_cast %get3A_596 : i32 to index
      %get3A_598 = arith.index_cast %mul3A_595 : i32 to index
      %get3A_599 = tpu.vector_load %arg9[%get3A_597, %get3A_598] {strides = array<i32>} : memref<16x640xf32, #tpu.memory_space<vmem>>, vector<16xf32>,
      %add3A_600 = arith.addf %add3A_593, %get3A_599 : vector<16xf32>
      %mul3A_601 = arith.constant 16 : i32
      %mul3A_602 = arith.muli %scan3A_489, %mul3A_601 : i32
      %swap3A = arith.index_cast %mul3A_602 : i32 to index
      %swap3A_603 = tpu.vector_load %arg7[%swap3A] {strides = array<i32>} : memref<10240xf32, #tpu.memory_space<vmem>>, vector<16xf32>,
      tpu.vector_store %arg7[%swap3A], %add3A_600 {strides = array<i32>} : memref<10240xf32, #tpu.memory_space<vmem>>, vector<16xf32>,
      %scan3A_604 = arith.constant 0 : i32
      scf.yield %scan3A_604 : i32
    }
    %scan3A_474 = arith.constant 40 : i32
    %mul3A_475 = arith.constant 640 : i32
    %mul3A_476 = arith.muli %arg1, %mul3A_475 : i32
    "tpu.region"() ({
      %run_scoped3A = tpu.sem_alloc : memref<!tpu.dma_semaphore, #tpu.memory_space<semaphore_mem>>
      %dma_start3A_489 = arith.constant 0 : i32
      %dma_start3A_490 = tpu.memref_slice %arg7[%dma_start3A_489] : memref<10240xf32, #tpu.memory_space<vmem>> -> memref<640xf32, #tpu.memory_space<vmem>>
      %dma_start3A_491 = tpu.memref_slice %arg11[%mul3A_476] : memref<10240xf32, #tpu.memory_space<vmem_shared>> -> memref<640xf32, #tpu.memory_space<vmem_shared>>
      %dma_start3A_492 = tpu.memref_slice %arg11[%mul3A_476] : memref<10240xf32, #tpu.memory_space<vmem_shared>> -> memref<640xf32, #tpu.memory_space<vmem_shared>>
      %dma_start3A_493 = arith.constant 0 : i32
      %dma_start3A_494 = tpu.memref_slice %arg7[%dma_start3A_493] : memref<10240xf32, #tpu.memory_space<vmem>> -> memref<640xf32, #tpu.memory_space<vmem>>
      tpu.enqueue_dma source(%dma_start3A_494 : memref<640xf32, #tpu.memory_space<vmem>>) target(%dma_start3A_492 : memref<640xf32, #tpu.memory_space<vmem_shared>>) target_semaphore(%run_scoped3A : memref<!tpu.dma_semaphore, #tpu.memory_space<semaphore_mem>>)
      %dma_wait3A_495 = arith.constant 0 : i32
      %dma_wait3A_496 = tpu.memref_slice %arg7[%dma_wait3A_495] : memref<10240xf32, #tpu.memory_space<vmem>> -> memref<640xf32, #tpu.memory_space<vmem>>
      %dma_wait3A_497 = tpu.memref_slice %arg11[%mul3A_476] : memref<10240xf32, #tpu.memory_space<vmem_shared>> -> memref<640xf32, #tpu.memory_space<vmem_shared>>
      %dma_wait3A_498 = tpu.memref_slice %arg11[%mul3A_476] : memref<10240xf32, #tpu.memory_space<vmem_shared>> -> memref<640xf32, #tpu.memory_space<vmem_shared>>
      %dma_wait3A_499 = arith.constant 0 : i32
      %dma_wait3A_500 = tpu.memref_slice %arg7[%dma_wait3A_499] : memref<10240xf32, #tpu.memory_space<vmem>> -> memref<640xf32, #tpu.memory_space<vmem>>
      tpu.wait_dma2 semaphore(%run_scoped3A : memref<!tpu.dma_semaphore, #tpu.memory_space<semaphore_mem>>) src(%dma_wait3A_500 : memref<640xf32, #tpu.memory_space<vmem>>) dst(%dma_wait3A_498 : memref<640xf32, #tpu.memory_space<vmem_shared>>)
      tpu.yield
    }) : () -> ()
    %barrier3A_477 = arith.constant 0 : index
    tpu.barrier barrier_id(%barrier3A_477)
    "tpu.trace_stop"() : () -> ()
    "tpu.trace_start"() <{level = 10 : i32, message = "ph3_gather"}> : () -> ()
    "tpu.region"() ({
      %run_scoped3A = tpu.sem_alloc : memref<!tpu.dma_semaphore, #tpu.memory_space<semaphore_mem>>
      tpu.enqueue_dma source(%arg11 : memref<10240xf32, #tpu.memory_space<vmem_shared>>) target(%arg7 : memref<10240xf32, #tpu.memory_space<vmem>>) target_semaphore(%run_scoped3A : memref<!tpu.dma_semaphore, #tpu.memory_space<semaphore_mem>>)
      tpu.wait_dma2 semaphore(%run_scoped3A : memref<!tpu.dma_semaphore, #tpu.memory_space<semaphore_mem>>) src(%arg11 : memref<10240xf32, #tpu.memory_space<vmem_shared>>) dst(%arg7 : memref<10240xf32, #tpu.memory_space<vmem>>)
      tpu.yield
    }) : () -> ()
    %dma_wait3A_478 = tpu.memref_slice %arg3[%add3A_42] : memref<640000xi32, #tpu.memory_space<hbm>> -> memref<10000xi32, #tpu.memory_space<hbm>>
    %dma_wait3A_479 = tpu.memref_slice %arg3[%add3A_42] : memref<640000xi32, #tpu.memory_space<hbm>> -> memref<10000xi32, #tpu.memory_space<hbm>>
    tpu.wait_dma2 semaphore(%arg13 : memref<!tpu.dma_semaphore, #tpu.memory_space<semaphore_mem>>) src(%dma_wait3A_479 : memref<10000xi32, #tpu.memory_space<hbm>>) dst(%arg6 : memref<10000xi32, #tpu.memory_space<vmem>>)
    %scan3A_480 = arith.constant 0 : i32
    %scan3A_481 = arith.constant 0 : i32
    %scan3A_482 = arith.constant 125 : i32
    %scan3A_483 = arith.addi %scan3A_481, %scan3A_482 : i32
    %scan3A_484 = arith.constant 1 : i32
    %scan3A_485 = scf.for %scan3A_489 = %scan3A_481 to %scan3A_483 step %scan3A_484 iter_args(%scan3A_490 = %scan3A_480) -> (i32)  : i32 {
      %mul3A_491 = arith.constant 80 : i32
      %mul3A_492 = arith.muli %scan3A_489, %mul3A_491 : i32
      %add3A_493 = arith.constant 0 : i32
      %add3A_494 = arith.addi %mul3A_492, %add3A_493 : i32
      %get3A = arith.index_cast %add3A_494 : i32 to index
      %get3A_495 = tpu.vector_load %arg6[%get3A] {strides = array<i32>} : memref<10000xi32, #tpu.memory_space<vmem>>, vector<16xi32>,
      %gather3A = tpu.vector_load_idx %arg7[%get3A_495] : memref<10240xf32, #tpu.memory_space<vmem>>[vector<16xi32>], vector<16xf32>,
      %add3A_496 = arith.constant 0 : i32
      %add3A_497 = arith.addi %mul3A_492, %add3A_496 : i32
      %swap3A = arith.index_cast %add3A_497 : i32 to index
      %swap3A_498 = tpu.vector_load %arg8[%swap3A] {strides = array<i32>} : memref<10000xf32, #tpu.memory_space<vmem>>, vector<16xf32>,
      tpu.vector_store %arg8[%swap3A], %gather3A {strides = array<i32>} : memref<10000xf32, #tpu.memory_space<vmem>>, vector<16xf32>,
      %add3A_499 = arith.constant 16 : i32
      %add3A_500 = arith.addi %mul3A_492, %add3A_499 : i32
      %get3A_501 = arith.index_cast %add3A_500 : i32 to index
      %get3A_502 = tpu.vector_load %arg6[%get3A_501] {strides = array<i32>} : memref<10000xi32, #tpu.memory_space<vmem>>, vector<16xi32>,
      %gather3A_503 = tpu.vector_load_idx %arg7[%get3A_502] : memref<10240xf32, #tpu.memory_space<vmem>>[vector<16xi32>], vector<16xf32>,
      %add3A_504 = arith.constant 16 : i32
      %add3A_505 = arith.addi %mul3A_492, %add3A_504 : i32
      %swap3A_506 = arith.index_cast %add3A_505 : i32 to index
      %swap3A_507 = tpu.vector_load %arg8[%swap3A_506] {strides = array<i32>} : memref<10000xf32, #tpu.memory_space<vmem>>, vector<16xf32>,
      tpu.vector_store %arg8[%swap3A_506], %gather3A_503 {strides = array<i32>} : memref<10000xf32, #tpu.memory_space<vmem>>, vector<16xf32>,
      %add3A_508 = arith.constant 32 : i32
      %add3A_509 = arith.addi %mul3A_492, %add3A_508 : i32
      %get3A_510 = arith.index_cast %add3A_509 : i32 to index
      %get3A_511 = tpu.vector_load %arg6[%get3A_510] {strides = array<i32>} : memref<10000xi32, #tpu.memory_space<vmem>>, vector<16xi32>,
      %gather3A_512 = tpu.vector_load_idx %arg7[%get3A_511] : memref<10240xf32, #tpu.memory_space<vmem>>[vector<16xi32>], vector<16xf32>,
      %add3A_513 = arith.constant 32 : i32
      %add3A_514 = arith.addi %mul3A_492, %add3A_513 : i32
      %swap3A_515 = arith.index_cast %add3A_514 : i32 to index
      %swap3A_516 = tpu.vector_load %arg8[%swap3A_515] {strides = array<i32>} : memref<10000xf32, #tpu.memory_space<vmem>>, vector<16xf32>,
      tpu.vector_store %arg8[%swap3A_515], %gather3A_512 {strides = array<i32>} : memref<10000xf32, #tpu.memory_space<vmem>>, vector<16xf32>,
      %add3A_517 = arith.constant 48 : i32
      %add3A_518 = arith.addi %mul3A_492, %add3A_517 : i32
      %get3A_519 = arith.index_cast %add3A_518 : i32 to index
      %get3A_520 = tpu.vector_load %arg6[%get3A_519] {strides = array<i32>} : memref<10000xi32, #tpu.memory_space<vmem>>, vector<16xi32>,
      %gather3A_521 = tpu.vector_load_idx %arg7[%get3A_520] : memref<10240xf32, #tpu.memory_space<vmem>>[vector<16xi32>], vector<16xf32>,
      %add3A_522 = arith.constant 48 : i32
      %add3A_523 = arith.addi %mul3A_492, %add3A_522 : i32
      %swap3A_524 = arith.index_cast %add3A_523 : i32 to index
      %swap3A_525 = tpu.vector_load %arg8[%swap3A_524] {strides = array<i32>} : memref<10000xf32, #tpu.memory_space<vmem>>, vector<16xf32>,
      tpu.vector_store %arg8[%swap3A_524], %gather3A_521 {strides = array<i32>} : memref<10000xf32, #tpu.memory_space<vmem>>, vector<16xf32>,
      %add3A_526 = arith.constant 64 : i32
      %add3A_527 = arith.addi %mul3A_492, %add3A_526 : i32
      %get3A_528 = arith.index_cast %add3A_527 : i32 to index
      %get3A_529 = tpu.vector_load %arg6[%get3A_528] {strides = array<i32>} : memref<10000xi32, #tpu.memory_space<vmem>>, vector<16xi32>,
      %gather3A_530 = tpu.vector_load_idx %arg7[%get3A_529] : memref<10240xf32, #tpu.memory_space<vmem>>[vector<16xi32>], vector<16xf32>,
      %add3A_531 = arith.constant 64 : i32
      %add3A_532 = arith.addi %mul3A_492, %add3A_531 : i32
      %swap3A_533 = arith.index_cast %add3A_532 : i32 to index
      %swap3A_534 = tpu.vector_load %arg8[%swap3A_533] {strides = array<i32>} : memref<10000xf32, #tpu.memory_space<vmem>>, vector<16xf32>,
      tpu.vector_store %arg8[%swap3A_533], %gather3A_530 {strides = array<i32>} : memref<10000xf32, #tpu.memory_space<vmem>>, vector<16xf32>,
      %scan3A_535 = arith.constant 0 : i32
      scf.yield %scan3A_535 : i32
    }
    %scan3A_486 = arith.constant 125 : i32
    %mul3A_487 = arith.constant 10000 : i32
    %mul3A_488 = arith.muli %add3A, %mul3A_487 : i32
    "tpu.region"() ({
      %run_scoped3A = tpu.sem_alloc : memref<!tpu.dma_semaphore, #tpu.memory_space<semaphore_mem>>
      %dma_start3A_489 = tpu.memref_slice %arg4[%mul3A_488] : memref<320000xf32, #tpu.memory_space<hbm>> -> memref<10000xf32, #tpu.memory_space<hbm>>
      %dma_start3A_490 = tpu.memref_slice %arg4[%mul3A_488] : memref<320000xf32, #tpu.memory_space<hbm>> -> memref<10000xf32, #tpu.memory_space<hbm>>
      tpu.enqueue_dma source(%arg8 : memref<10000xf32, #tpu.memory_space<vmem>>) target(%dma_start3A_490 : memref<10000xf32, #tpu.memory_space<hbm>>) target_semaphore(%run_scoped3A : memref<!tpu.dma_semaphore, #tpu.memory_space<semaphore_mem>>)
      %dma_wait3A_491 = tpu.memref_slice %arg4[%mul3A_488] : memref<320000xf32, #tpu.memory_space<hbm>> -> memref<10000xf32, #tpu.memory_space<hbm>>
      %dma_wait3A_492 = tpu.memref_slice %arg4[%mul3A_488] : memref<320000xf32, #tpu.memory_space<hbm>> -> memref<10000xf32, #tpu.memory_space<hbm>>
      tpu.wait_dma2 semaphore(%run_scoped3A : memref<!tpu.dma_semaphore, #tpu.memory_space<semaphore_mem>>) src(%arg8 : memref<10000xf32, #tpu.memory_space<vmem>>) dst(%dma_wait3A_492 : memref<10000xf32, #tpu.memory_space<hbm>>)
      tpu.yield
    }) : () -> ()
    "tpu.trace_stop"() : () -> ()
    return
  }
}

</mosaic_0001>

<sc_bundles>
// kernel: kernel.3.cloned.1.call-start
scs
__scs_entry_jumppad:
0x0: {  	(pc) =	sbr.rel $0x88, $3  }
0x1: {  	(tag) =	ssettag $0x0;
	lr =	simm.s32 $0x1  }
0x2: {  	[smem:$0x3F9F] =	sst lr;
	_ =	strace $0xD0000000  }
0x3: {  	_ = 	snop  }
0x4: {  	_ = 	snop  }
0x5: {  	_ = 	snop  }
0x6: {  	_ = 	snop  }
0x7: {  	_ = 	snop  }
__scs_overlays_trampoline_lowered:
0x8: {  	[smem:$0x3FAE] =	sst s0  }
0x9: {  	[smem:$0x3FAF] =	sst s1  }
0xa: {  	[smem:$0x3FB0] =	sst s2  }
0xb: {  	[smem:$0x3FB1] =	sst s3  }
0xc: {  	[smem:$0x3FB2] =	sst s4  }
0xd: {  	[smem:$0x3FB3] =	sst s5  }
0xe: {  	[smem:$0x3FB4] =	sst s6  }
0xf: {  	[smem:$0x3FB5] =	sst s7  }
0x10: {  	[smem:$0x3FB6] =	sst s8  }
0x11: {  	[smem:$0x3FB7] =	sst s9;
	s0 =	simm.s32 @!p0 $0x0  }
0x12: {  	s1 =	sld [smem:$0x3F9D];
	s0 =	simm.s32 @p0 $0x1  }
0x13: {  	[smem:$0x3FB8] =	sst s0;
	s0 =	simm.s32 @!p1 $0x0  }
0x14: {  	s2 =	sld [smem:$0x3F9C];
	s0 =	simm.s32 @p1 $0x1  }
0x15: {  	[smem:$0x3FB9] =	sst s0;
	s0 =	simm.s32 @!p2 $0x0  }
0x16: {  	s3 =	sld [smem:$0x3FDB];
	s0 =	simm.s32 @p2 $0x1  }
0x17: {  	s4 =	simm.s32 $0x1BF5;
	[smem:$0x3FBB] =	sst s0  }
0x18: {  	s0 =	sld [smem:$0x3F9E];
	_ =	swait.ge [sflag:s4], $0x0  }
0x19: {  	s7 =	sld [smem:$0x3F9F]  }
0x1a: {  	s8 =	sadd.s32 $0xFFFFE003, lr  }
0x1b: {  	s9 =	sadd.s32 $0xFFFFFEF7, lr;
	s5 =	simm.s32 $0xFFFFFFFF;
	p2 =	slt.u32 s8, $0xFFFFF086  }
0x1c: {  	p1 =	slt.u32 s9, $0xF7A;
	s5 =	simm.s32 @!p2 $0x0  }
0x1d: {  	s5 =	simm.s32 @p1 $0x1;
	p0 =	seq.s32 s7, s2  }
0x1e: {  	s7 =	smul.u32 @!p0 $0xF7A, s2;
	p2 =	seq.s32 @!p0 s5, $0x0  }
0x1f: {  	s9 =	smul.u32 $0xF7A, s1;
	s8 =	simm.s32 @!p0 $0x1BF5;
	p2 =	por !p2, p0  }
0x20: {  	[sflag:s8] =	ssyncset.s32 @!p0 $0xFFFFF086;
	s6 =	sadd.s32 @!p0 s3, s7;
	s7 =	simm.s32 @!p0 $0x108  }
0x21: {  	s3 =	sadd.s32 s3, s9;
	s6 =	sadd.s32 @!p0 $0x88, s6;
	s7 =	simm.s32 @p2 $0x1082  }
0x22: {  	[simem:s7], [sflag:s8] =	dma.local @!p0 [hbm:s6], $0xF7A  }
0x23: {  	s9 =	sor.u32 $0xD0000000, s2;
	s6 =	simm.s32 $0x108;
	_ =	swait.ge @!p0 [sflag:s8], $0x0  }
0x24: {  	s3 =	sadd.s32 $0x88, s3;
	s6 =	simm.s32 @!p1 $0x1082;
	[sflag:s4] =	ssyncset.s32 $0xFFFFF086  }
0x25: {  	[simem:s6], [sflag:s4] =	dma.local [hbm:s3], $0xF7A  }
0x26: {  	[smem:$0x3F9F] =	sst s1;
	(tag) =	ssettag s2;
	_ =	strace s9  }
0x27: {  	s1 =	sld [smem:$0x3FAF]  }
0x28: {  	s2 =	sld [smem:$0x3FB0]  }
0x29: {  	s4 =	sld [smem:$0x3FB2]  }
0x2a: {  	p0 =	seq.s32 s5, $0x0;
	s5 =	sld [smem:$0x3FB3]  }
0x2b: {  	s6 =	sld [smem:$0x3FB4]  }
0x2c: {  	s7 =	sld [smem:$0x3FB5]  }
0x2d: {  	s3 =	simm.s32 $0x108;
	s8 =	sld [smem:$0x3FB6]  }
0x2e: {  	s3 =	simm.s32 @!p0 $0x1082;
	s9 =	sld [smem:$0x3FB7]  }
0x2f: {  	lr =	sadd.s32 s0, s3;
	s0 =	sld [smem:$0x3FAE]  }
0x30: {  	s3 =	sld [smem:$0x3FB1]  }
0x31: {  	[smem:$0x3FBA] =	sst s10  }
0x32: {  	s10 =	sld [smem:$0x3FB8];
	_ =	sdelay $0x3  }
0x33: {  	p0 =	seq.s32 s10, $0x1;
	s10 =	sld [smem:$0x3FBA];
	_ =	sdelay $0x3  }
0x34: {  	[smem:$0x3FBA] =	sst s10  }
0x35: {  	s10 =	sld [smem:$0x3FB9];
	_ =	sdelay $0x3  }
0x36: {  	p1 =	seq.s32 s10, $0x1;
	s10 =	sld [smem:$0x3FBA];
	_ =	sdelay $0x3  }
0x37: {  	[smem:$0x3FBA] =	sst s10  }
0x38: {  	s10 =	sld [smem:$0x3FBB]  }
0x39: {  	_ = 	snop;
	(pc) =	sbr.ind lr, $3  }
0x3a: {  	_ = 	snop  }
0x3b: {  	_ = 	snop  }
0x3c: {  	p2 =	seq.s32 s10, $0x1;
	s10 =	sld [smem:$0x3FBA]  }
0x3d: {  	_ =	shalt  }
0x3e: {  	_ =	shalt  }
0x3f: {  	_ =	shalt  }
0x40: {  	_ =	shalt  }
0x41: {  	_ =	shalt  }
0x42: {  	_ =	shalt  }
0x43: {  	_ =	shalt  }
0x44: {  	_ =	shalt  }
0x45: {  	_ =	shalt  }
0x46: {  	_ =	shalt  }
0x47: {  	_ =	shalt  }
0x48: {  	_ =	shalt  }
0x49: {  	_ =	shalt  }
0x4a: {  	_ =	shalt  }
0x4b: {  	_ =	shalt  }
0x4c: {  	_ =	shalt  }
0x4d: {  	_ =	shalt  }
0x4e: {  	_ =	shalt  }
0x4f: {  	_ =	shalt  }
0x50: {  	_ =	shalt  }
0x51: {  	_ =	shalt  }
0x52: {  	_ =	shalt  }
0x53: {  	_ =	shalt  }
0x54: {  	_ =	shalt  }
0x55: {  	_ =	shalt  }
0x56: {  	_ =	shalt  }
0x57: {  	_ =	shalt  }
0x58: {  	_ =	shalt  }
0x59: {  	_ =	shalt  }
0x5a: {  	_ =	shalt  }
0x5b: {  	_ =	shalt  }
0x5c: {  	_ =	shalt  }
0x5d: {  	_ =	shalt  }
0x5e: {  	_ =	shalt  }
0x5f: {  	_ =	shalt  }
0x60: {  	_ =	shalt  }
0x61: {  	_ =	shalt  }
0x62: {  	_ =	shalt  }
0x63: {  	_ =	shalt  }
0x64: {  	_ =	shalt  }
0x65: {  	_ =	shalt  }
0x66: {  	_ =	shalt  }
0x67: {  	_ =	shalt  }
0x68: {  	_ =	shalt  }
0x69: {  	_ =	shalt  }
0x6a: {  	_ =	shalt  }
0x6b: {  	_ =	shalt  }
0x6c: {  	_ =	shalt  }
0x6d: {  	_ =	shalt  }
0x6e: {  	_ =	shalt  }
0x6f: {  	_ =	shalt  }
0x70: {  	_ =	shalt  }
0x71: {  	_ =	shalt  }
0x72: {  	_ =	shalt  }
0x73: {  	_ =	shalt  }
0x74: {  	_ =	shalt  }
0x75: {  	_ =	shalt  }
0x76: {  	_ =	shalt  }
0x77: {  	_ =	shalt  }
0x78: {  	_ =	shalt  }
0x79: {  	_ =	shalt  }
0x7a: {  	_ =	shalt  }
0x7b: {  	_ =	shalt  }
0x7c: {  	_ =	shalt  }
0x7d: {  	_ =	shalt  }
0x7e: {  	_ =	shalt  }
0x7f: {  	_ =	shalt  }
0x80: {  	_ =	shalt  }
0x81: {  	_ =	shalt  }
0x82: {  	_ =	shalt  }
0x83: {  	_ =	shalt  }
0x84: {  	_ =	shalt  }
0x85: {  	_ =	shalt  }
0x86: {  	_ =	shalt  }
0x87: {  	_ =	shalt  }
.Lfunc_end0:
.L_simem_size_0:
called_computation_lowered:
.L_overlay_start_0:
0x88: {  	s2 =	sld [smem:$0x3FD9]  }
0x89: {  	s3 =	sld [smem:$0x3FFE];
	_ =	sdelay $0x1  }
0x8a: {  	s1 =	srdreg.scid  }
0x8b: {  	s0 =	sand.u32 $0x1, s1  }
0x8c: {  	s17 =	sshll.u32 s0, $0xA;
	s2 =	sadd.s32 s3, s2  }
0x8d: {  	s2 =	sadd.s32 s2, s17  }
0x8e: {  	[smem:$0x3FC6] =	sst s2  }
0x8f: {  	_ = 	snop  }
0x90: {  	s2 =	sld [smem:$0x3FC8]  }
0x91: {  	s18 =	sld [smem:$0x3FD0];
	(tm) =	ssettm $0x1  }
0x92: {  	s4 =	sld [smem:$0x3FFB];
	_ =	sdelay $0x3  }
0x93: {  	_ =	strace s4  }
0x94: {  	s4 =	sld [smem:$0x3FFC];
	_ =	sdelay $0x3  }
0x95: {  	_ =	strace s4  }
0x96: {  	s4 =	sld [smem:$0x3FFD];
	_ =	sdelay $0x3  }
0x97: {  	_ =	strace s4  }
0x98: {  	_ =	strace $0x8FFFFFFF  }
0x99: {  	s19 =	sld [smem:$0x3FDB];
	_ =	sdelay $0x1  }
0x9a: {  	s5 =	simm.s32 $_scs_section_size  }
0x9b: {  	s6 =	simm.s32 $_size__tile_overlayer_lowered;
	s7 =	simm.s32 $_tile_overlayer_lowered  }
0x9c: {  	s22 =	simm.s32 $0x1BFF;
	s21 =	sshll.u32 s7, $0x1;
	s4 =	sadd.s32 s5, s19  }
0x9d: {  	s8 =	simm.s32 $0x0;
	s20 =	sshll.u32 s6, $0x1;
	s6 =	sadd.s32 s21, s4  }
0x9e: {  	[timem:s8], [sflag:s22] =	dma.local [hbm:s6], s20  }
0x9f: {  	_ =	swait.ge [sflag:s22], s20  }
0xa0: {  	s5 =	ssub.s32 $0x0, s20;
	[sflag:s22] =	ssyncset.done $0x0  }
0xa1: {  	[sflag:s22] =	ssyncadd.s32 s5;
	_ =	sdelay $0x1  }
0xa2: {  	s23 =	simm.s32 $0x1B8B  }
0xa3: {  	_ =	swait.ge [sflag:s23], $0x1  }
0xa4: {  	[sflag:s23] =	ssyncset.done $0x0  }
0xa5: {  	s25 =	simm.s32 $0x1B8E;
	s24 =	sld [smem:$0x3FFE];
	[sflag:s23] =	ssyncadd.s32 $0xFFFFFFFF  }
0xa6: {  	s26 =	simm.s32 $execute0_lowered;
	[smem:$0x3FD2] =	sst s25  }
0xa7: {  	s6 =	sshll.u32 s26, $0x1;
	_ =	strace $0x80000046;
	[dreg:$0x1] =	wrdreg $0xFFFFFFFF  }
0xa8: {  	s28 =	simm.s32 $_size_execute0_lowered;
	s4 =	sadd.s32 s4, s6;
	[dreg:$0x0] =	wrdreg $0x0  }
0xa9: {  	s6 =	sshll.u32 s28, $0x1;
	[dreg:$0x2] =	wrdreg s4  }
0xaa: {  	[dreg:$0x3] =	wrdreg s6  }
0xab: {  	[dreg:$0x4] =	wrdreg $0xC0  }
0xac: {  	_ =	task [dreg:s8], $0x5FFFF  }
0xad: {  	[dreg:$0x1] =	wrdreg $0xFFFFFFFF  }
0xae: {  	[dreg:$0x0] =	wrdreg $0x60  }
0xaf: {  	[dreg:$0x2] =	wrdreg s2  }
0xb0: {  	[dreg:$0x3] =	wrdreg s24  }
0xb1: {  	[dreg:$0x4] =	wrdreg s18  }
0xb2: {  	[dreg:$0x5] =	wrdreg $0x13C000  }
0xb3: {  	[dreg:$0x6] =	wrdreg $0x164000  }
0xb4: {  	[dreg:$0x7] =	wrdreg $0x9  }
0xb5: {  	_ =	task.clear_ibuf [dreg:s8], $0x8FFFF;
	_ =	strace $0x90000046  }
0xb6: {  	s29 =	simm.s32 $0x9;
	_ =	strace $0x8000004C  }
0xb7: {  	_ =	swait.ge [sflag:s29], $0x1  }
0xb8: {  	[sflag:s29] =	ssyncadd.s32 $0xFFFFFFFF  }
0xb9: {  	_ =	strace $0x9000004C  }
0xba: {  	_ =	sfence  }
0xbb: {  	s30 =	sld [smem:$0x0];
	_ =	sdelay $0x2  }
0xbc: {  	s31 =	sshll.u32 s1, $0xD;
	s1 =	sshrl.u32 s1, $0x2  }
0xbd: {  	s3 =	sand.u32 $0x4000, s31;
	s1 =	sadd.s32 s1, s30  }
0xbe: {  	s0 =	sor.u32 s3, s0;
	s1 =	sshll.u32 s1, $0x11  }
0xbf: {  	s0 =	sor.u32 s1, s0  }
0xc0: {  	s0 =	sadd.s32 $0x8F2B, s0  }
0xc1: {  	[sflag:s0] =	ssyncadd.remote.s32 $0x1  }
0xc2: {  	_ =	sfence.sel $0xFFFF  }
0xc3: {  	[dreg:$0x0] =	wrdreg $0xFFFFFFFF;
	(pc) =	sbr.abs _section_cstart, $3  }
0xc4: {  	[dreg:$0x1] =	wrdreg $0xFFFFFFFF  }
0xc5: {  	_ =	task.clear_ibuf [dreg:s8], $0x2FFFF;
	_ =	strace $0x9FFFFFFF  }
0xc6: {  	(tm) =	ssettm $0x7FFFFFFF  }
0xc7: {  	_ =	shalt  }
tec
execute0_lowered:
.L_overlay_start_1:
0x0: {  	(tag) =	ssettag $0x1  }
0x1: {  	s0 =	rddreg [dreg:$0x0]  }
0x2: {  	s1 =	rddreg [dreg:$0x1]  }
0x3: {  	s2 =	rddreg [dreg:$0x2]  }
0x4: {  	s4 =	rddreg [dreg:$0x3]  }
0x5: {  	s12 =	rddreg [dreg:$0x4];
	s5 =	srdreg.scid  }
0x6: {  	s11 =	stileid.u32;
	s3 =	simm.s32 $0x0;
	s5 =	sand.u32 $0x1, s5  }
0x7: {  	s6 =	sshll.u32 s11, $0x1;
	s24 =	smul.u32 $0x4E20, s11;
	[smem:$0x7FF] =	sst s3  }
0x8: {  	s25 =	sshrl.u32 s11, $0x3;
	s10 =	smul.u32 $0x5000, s11;
	s7 =	ssub.s32 $0x2, s5  }
0x9: {  	s5 =	sor.u32 s5, s6;
	_ =	strace $0x80000047;
	s8 =	sshrl.u32 s7, $0x1  }
0xa: {  	s5 =	smul.u32 $0x2710, s5;
	s9 =	sshrl.u32 s24, $0x2;
	s6 =	sand.u32 $0x60, s24  }
0xb: {  	s8 =	ssub.s32 s7, s8;
	s7 =	smul.u32 $0x50000, s25;
	s9 =	sand.u32 $0x1FFE0, s9  }
0xc: {  	[dreg:$0x7] =	wrdreg s6;
	s5 =	sshrl.u32 s5, $0x3;
	s0 =	sadd.s32 s0, s9  }
0xd: {  	s1 =	sadd.s32 s1, s5;
	[dreg:$0x8] =	wrdreg s0  }
0xe: {  	s6 =	sshrl.u32 s7, $0x2;
	s7 =	sshrl.u32 s10, $0x2;
	s2 =	sadd.s32 s2, s5  }
0xf: {  	s26 =	sadd.s32 $0xA040, s1;
	s7 =	sadd.s32 s7, s4;
	[dreg:$0x17] =	wrdreg s2  }
0x10: {  	[dreg:$0x9] =	wrdreg s26;
	s9 =	sadd.s32 $0x80, s7  }
0x11: {  	s10 =	sadd.s32 $0x100, s7;
	[dreg:$0xb] =	wrdreg s9  }
0x12: {  	s13 =	sadd.s32 $0x180, s7;
	[dreg:$0xc] =	wrdreg s10  }
0x13: {  	s14 =	sadd.s32 $0x200, s7;
	[dreg:$0xd] =	wrdreg s13  }
0x14: {  	s15 =	sadd.s32 $0x280, s7;
	[dreg:$0xe] =	wrdreg s14  }
0x15: {  	s16 =	sadd.s32 $0x300, s7;
	[dreg:$0xf] =	wrdreg s15  }
0x16: {  	s17 =	sadd.s32 $0x380, s7;
	[dreg:$0x10] =	wrdreg s16  }
0x17: {  	s18 =	sadd.s32 $0x14000, s7;
	[dreg:$0x11] =	wrdreg s17  }
0x18: {  	s19 =	sadd.s32 $0x14080, s7;
	[dreg:$0x12] =	wrdreg s18  }
0x19: {  	s20 =	sadd.s32 $0x14100, s7;
	[dreg:$0x13] =	wrdreg s19  }
0x1a: {  	s21 =	sadd.s32 $0x14180, s7;
	[dreg:$0x14] =	wrdreg s20  }
0x1b: {  	s22 =	sadd.s32 $0x14200, s7;
	[dreg:$0x15] =	wrdreg s21  }
0x1c: {  	s25 =	sadd.s32 $0x14280, s7;
	[dreg:$0x16] =	wrdreg s22  }
0x1d: {  	s1 =	sshll.u32 s11, $0x7;
	s26 =	sadd.s32 $0x14300, s7;
	[dreg:$0x18] =	wrdreg s25  }
0x1e: {  	s0 =	sand.u32 $0x380, s1;
	s2 =	sadd.s32 $0x14380, s7;
	[dreg:$0x19] =	wrdreg s26  }
0x1f: {  	s1 =	sadd.s32 s6, s4;
	s4 =	sadd.s32 $0x400, s7;
	[dreg:$0x1c] =	wrdreg s2  }
0x20: {  	s5 =	sadd.s32 $0x800, s7;
	[dreg:$0x1d] =	wrdreg s4  }
0x21: {  	s23 =	smul.u32 $0xA00, s11;
	s6 =	sadd.s32 $0xC00, s7;
	[dreg:$0x1e] =	wrdreg s5  }
0x22: {  	s24 =	sand.u32 $0x3, s11;
	s11 =	sadd.s32 $0xC80, s7;
	[dreg:$0x1f] =	wrdreg s6  }
0x23: {  	s0 =	sadd.s32 s0, s1;
	[smem:$0x7D6] =	sst s11  }
0x24: {  	s1 =	sshll.u32 s24, $0x6;
	[dreg:$0xa] =	wrdreg s0  }
0x25: {  	s9 =	sadd.s32 $0x480, s7;
	[dreg:$0x6] =	wrdreg s1  }
0x26: {  	s10 =	sadd.s32 $0x880, s7;
	[smem:$0x7D4] =	sst s9  }
0x27: {  	s13 =	sadd.s32 $0x500, s7;
	[smem:$0x7D5] =	sst s10  }
0x28: {  	s14 =	sadd.s32 $0x900, s7;
	[smem:$0x7D8] =	sst s13  }
0x29: {  	s15 =	sadd.s32 $0xD00, s7;
	[smem:$0x7D9] =	sst s14  }
0x2a: {  	s16 =	sadd.s32 $0x1100, s7;
	[smem:$0x7DA] =	sst s15  }
0x2b: {  	s17 =	sadd.s32 $0x580, s7;
	[smem:$0x7DB] =	sst s16  }
0x2c: {  	s18 =	sadd.s32 $0x980, s7;
	[smem:$0x7DC] =	sst s17  }
0x2d: {  	s19 =	sadd.s32 $0xD80, s7;
	[smem:$0x7DD] =	sst s18  }
0x2e: {  	s20 =	sadd.s32 $0x1180, s7;
	[smem:$0x7DE] =	sst s19  }
0x2f: {  	s21 =	sadd.s32 $0x600, s7;
	[smem:$0x7DF] =	sst s20  }
0x30: {  	s22 =	sadd.s32 $0xA00, s7;
	[smem:$0x7E0] =	sst s21  }
0x31: {  	s24 =	sadd.s32 $0x1200, s7;
	[smem:$0x7E1] =	sst s22  }
0x32: {  	s25 =	sadd.s32 $0x680, s7;
	[smem:$0x7E3] =	sst s24  }
0x33: {  	s26 =	sadd.s32 $0xA80, s7;
	[smem:$0x7E4] =	sst s25  }
0x34: {  	s2 =	sadd.s32 $0x1280, s7;
	[smem:$0x7E5] =	sst s26  }
0x35: {  	s4 =	sadd.s32 $0x700, s7;
	[smem:$0x7E7] =	sst s2  }
0x36: {  	s5 =	sadd.s32 $0xB00, s7;
	[smem:$0x7E8] =	sst s4  }
0x37: {  	s6 =	sadd.s32 $0xF00, s7;
	[smem:$0x7E9] =	sst s5  }
0x38: {  	s11 =	sadd.s32 $0xF80, s7;
	[smem:$0x7EA] =	sst s6  }
0x39: {  	s1 =	smax.u32 s8, $0x1;
	[smem:$0x7EE] =	sst s11  }
0x3a: {  	s8 =	sadd.s32 $0x1000, s7;
	[dreg:$0x1b] =	wrdreg s1  }
0x3b: {  	s0 =	sshrl.u32 s23, $0x2;
	s23 =	sadd.s32 $0xE00, s7;
	[smem:$0x7D3] =	sst s8  }
0x3c: {  	s9 =	sadd.s32 $0x780, s7;
	[smem:$0x7E2] =	sst s23  }
0x3d: {  	s10 =	sadd.s32 $0xB80, s7;
	[smem:$0x7EC] =	sst s9  }
0x3e: {  	s13 =	sadd.s32 $0x14400, s7;
	[smem:$0x7ED] =	sst s10  }
0x3f: {  	s28 =	sadd.s32 $0x14F00, s7;
	s14 =	sadd.s32 $0x14800, s7;
	[smem:$0x7F0] =	sst s13  }
0x40: {  	s29 =	sadd.s32 $0x15300, s7;
	s15 =	sadd.s32 $0x14C00, s7;
	[smem:$0x7F1] =	sst s14  }
0x41: {  	s30 =	sadd.s32 $0x14780, s7;
	s16 =	sadd.s32 $0x15000, s7;
	[smem:$0x7F2] =	sst s15  }
0x42: {  	s31 =	sadd.s32 $0x14B80, s7;
	s17 =	sadd.s32 $0x14480, s7;
	[smem:$0x7F3] =	sst s16  }
0x43: {  	s18 =	sadd.s32 $0x14880, s7;
	s19 =	sadd.s32 $0x14C80, s7;
	[smem:$0x7F4] =	sst s17  }
0x44: {  	s20 =	sadd.s32 $0x15080, s7;
	s21 =	sadd.s32 $0x14500, s7;
	[smem:$0x7F5] =	sst s18  }
0x45: {  	s22 =	sadd.s32 $0x14900, s7;
	s24 =	sadd.s32 $0x15100, s7;
	[smem:$0x7F6] =	sst s19  }
0x46: {  	s25 =	sadd.s32 $0x14580, s7;
	s26 =	sadd.s32 $0x14980, s7;
	[smem:$0x7F7] =	sst s20  }
0x47: {  	s2 =	simm.s32 $0x1;
	s5 =	simm.s32 $0xC480;
	[smem:$0x7F8] =	sst s21  }
0x48: {  	s6 =	simm.s32 $0x3;
	s4 =	simm.s32 $0x2;
	[smem:$0x7F9] =	sst s22  }
0x49: {  	s0 =	sadd.s32 s0, s12;
	s12 =	sadd.s32 $0x1080, s7;
	[smem:$0x7FB] =	sst s24  }
0x4a: {  	s1 =	sadd.s32 $0xE80, s7;
	s8 =	sadd.s32 $0x1300, s7;
	[smem:$0x7FC] =	sst s25  }
0x4b: {  	s23 =	sadd.s32 $0x14D00, s7;
	[smem:$0x7FD] =	sst s26;
	s15 =	sadd.s32 $0x14D80, s7  }
0x4c: {  	s16 =	sadd.s32 $0x15180, s7;
	s17 =	sadd.s32 $0x14600, s7;
	s18 =	sadd.s32 $0x14A00, s7  }
0x4d: {  	s19 =	sadd.s32 $0x14E00, s7;
	s20 =	sadd.s32 $0x15200, s7;
	[dreg:$0x1a] =	wrdreg s0  }
0x4e: {  	s21 =	sadd.s32 $0x14680, s7;
	s22 =	sadd.s32 $0x14A80, s7;
	[smem:$0x7D7] =	sst s12  }
0x4f: {  	s24 =	sadd.s32 $0x15280, s7;
	s25 =	sadd.s32 $0x14700, s7;
	[smem:$0x7E6] =	sst s1  }
0x50: {  	s26 =	sadd.s32 $0x14B00, s7;
	[smem:$0x7EB] =	sst s8;
	s12 =	sadd.s32 $0x1380, s7  }
0x51: {  	[smem:$0x7FA] =	sst s23;
	s23 =	sadd.s32 $0x14E80, s7;
	s0 =	sadd.s32 $0x14F80, s7  }
0x52: {  	v0 =	vimm.f32 $0.0e+00;
	v1 =	vimm.f32 $1.000000000e+00;
	s1 =	sadd.s32 $0x15380, s7;
	s8 =	simm.s32 $0x0;
	[smem:$0x7EF] =	sst s12  }
.LBB2_1:
0x53: {  	s9 =	rddreg [dreg:$0x8]  }
0x54: {  	[tilespmem:s3], [sflag:$0x1] =	stream.linear.gather [hbm4b:s9+s3], $0x9D00, $0x38;
	[tilespmem:$0x16680] =	vst v63  }
0x55: {  	s9 =	simm.s32 $0xC4D0  }
0x56: {  	_ =	strace $0x80000048;
	[tilespmem:s9+$0xFFFFFFC0] =	vst v0  }
0x57: {  	[tilespmem:s9+$0xFFFFFFD0] =	vst v0  }
0x58: {  	[tilespmem:s9+$0xFFFFFFE0] =	vst v0  }
0x59: {  	[tilespmem:s9+$0xFFFFFFF0] =	vst v0  }
0x5a: {  	[tilespmem:s9+$0x0] =	vst v0  }
0x5b: {  	[tilespmem:s9+$0x10] =	vst v0  }
0x5c: {  	[tilespmem:s9+$0x20] =	vst v0  }
0x5d: {  	s11 =	sand.u32 $0x3FE0, s3;
	s10 =	simm.s32 $0xA0;
	[tilespmem:s9+$0xFFFFFFB0] =	vst v0  }
.LBB2_2:
0x5e: {  	p0 =	sne.s32 s10, $0x2760;
	[tilespmem:s11+$0xC500] =	vst v0  }
0x5f: {  	[tilespmem:s9+$0x40] =	vst v0;
	s9 =	sadd.s32 $0xA0, s9  }
0x60: {  	[tilespmem:s9+$0xFFFFFFC0] =	vst v0  }
0x61: {  	[tilespmem:s9+$0xFFFFFFD0] =	vst v0  }
0x62: {  	[tilespmem:s9+$0xFFFFFFE0] =	vst v0  }
.Ltmp0:
0x63: {  	[tilespmem:s9+$0xFFFFFFF0] =	vst v0;
	(pc) =	sbr.rel @p0 .LBB2_2-.Ltmp0, $4  }
0x64: {  	[tilespmem:s9+$0x0] =	vst v0  }
0x65: {  	[tilespmem:s9+$0x10] =	vst v0  }
0x66: {  	[tilespmem:s9+$0x20] =	vst v0  }
0x67: {  	s11 =	sand.u32 $0x3FE0, s10;
	s10 =	sadd.s32 $0xA0, s10;
	[tilespmem:s9+$0xFFFFFFB0] =	vst v0  }
0x68: {  	[tilespmem:s11+$0xC500] =	vst v0  }
0x69: {  	[tilespmem:s9+$0x40] =	vst v0  }
0x6a: {  	_ =	swait.ge [sflag:s2], $0x9D00  }
0x6b: {  	[sflag:s2] =	ssyncset.done $0x0  }
0x6c: {  	[sflag:s2] =	ssyncadd.s32 $0xFFFF6300  }
0x6d: {  	_ =	strace $0x90000048  }
0x6e: {  	s14 =	simm.s32 $0x9D00;
	s9 =	simm.s32 $0x0;
	s10 =	rddreg [dreg:$0x9]  }
0x6f: {  	[tilespmem:s14], [sflag:$0x2] =	stream.linear.gather [hbm4b:s10+s9], $0x2710, $0x38;
	[tilespmem:$0x16680] =	vst v63  }
0x70: {  	_ =	strace $0x80000049  }
0x71: {  	s10 =	rddreg [dreg:$0x7]  }
.LBB2_4:
0x72: {  	s11 =	rddreg [dreg:$0x6]  }
0x73: {  	s11 =	sadd.s32 s9, s11  }
0x74: {  	s12 =	sand.u32 $0x60, s10;
	s13 =	sand.u32 $0x1FF00, s11  }
0x75: {  	s12 =	sor.u32 s12, s13  }
0x76: {  	v2 =	vld [tilespmem:s12+$0x80];
	_ =	sdelay $0x7  }
0x77: {  	[tilespmem:v2+s5+$0x0] =	vst.idx.add.f32.msk $0xffff, v1  }
0x78: {  	v2 =	vld [tilespmem:s12+$0x90];
	_ =	sdelay $0x5  }
0x79: {  	s14 =	sadd.s32 $0x40, s11;
	s13 =	sadd.s32 $0x20, s10  }
0x7a: {  	s14 =	sand.u32 $0x3FF00, s14;
	s13 =	sand.u32 $0x60, s13  }
0x7b: {  	s13 =	sor.u32 s13, s14;
	[tilespmem:v2+s5+$0x0] =	vst.idx.add.f32.msk $0xffff, v1  }
0x7c: {  	v2 =	vld [tilespmem:s13+$0x80];
	_ =	sdelay $0x5  }
0x7d: {  	s14 =	sadd.s32 $0x60, s11;
	s13 =	sadd.s32 $0x30, s10  }
0x7e: {  	s14 =	sand.u32 $0x3FF00, s14;
	s13 =	sand.u32 $0x70, s13  }
0x7f: {  	s13 =	sor.u32 s13, s14;
	[tilespmem:v2+s5+$0x0] =	vst.idx.add.f32.msk $0xffff, v1  }
0x80: {  	v2 =	vld [tilespmem:s13+$0x80];
	_ =	sdelay $0x5  }
0x81: {  	s14 =	sadd.s32 $0x80, s11;
	s13 =	sadd.s32 $0x40, s10  }
0x82: {  	s14 =	sand.u32 $0x3FF00, s14;
	s13 =	sand.u32 $0x60, s13  }
0x83: {  	s13 =	sor.u32 s13, s14;
	[tilespmem:v2+s5+$0x0] =	vst.idx.add.f32.msk $0xffff, v1  }
0x84: {  	v2 =	vld [tilespmem:s13+$0x80];
	_ =	sdelay $0x5  }
0x85: {  	s14 =	sadd.s32 $0xA0, s11;
	s13 =	sadd.s32 $0x50, s10  }
0x86: {  	s14 =	sand.u32 $0x3FF00, s14;
	s13 =	sand.u32 $0x70, s13  }
0x87: {  	s13 =	sor.u32 s13, s14;
	[tilespmem:v2+s5+$0x0] =	vst.idx.add.f32.msk $0xffff, v1  }
0x88: {  	v2 =	vld [tilespmem:s13+$0x80];
	_ =	sdelay $0x5  }
0x89: {  	s14 =	sadd.s32 $0xC0, s11;
	s13 =	sadd.s32 $0x60, s10  }
0x8a: {  	s14 =	sand.u32 $0x3FF00, s14;
	s13 =	sand.u32 $0x60, s13  }
0x8b: {  	s13 =	sor.u32 s13, s14;
	[tilespmem:v2+s5+$0x0] =	vst.idx.add.f32.msk $0xffff, v1  }
0x8c: {  	v2 =	vld [tilespmem:s13+$0x80];
	_ =	sdelay $0x5  }
0x8d: {  	s14 =	sadd.s32 $0xE0, s11;
	s13 =	sadd.s32 $0x70, s10  }
0x8e: {  	s14 =	sand.u32 $0x3FF00, s14;
	s13 =	sand.u32 $0x70, s13  }
0x8f: {  	s13 =	sor.u32 s13, s14;
	[tilespmem:v2+s5+$0x0] =	vst.idx.add.f32.msk $0xffff, v1  }
0x90: {  	v2 =	vld [tilespmem:s13+$0x80];
	_ =	sdelay $0x7  }
0x91: {  	[tilespmem:v2+s5+$0x0] =	vst.idx.add.f32.msk $0xffff, v1  }
0x92: {  	v2 =	vld [tilespmem:s12+$0x180];
	_ =	sdelay $0x5  }
0x93: {  	s11 =	sadd.s32 $0x120, s11;
	s14 =	sadd.s32 $0x90, s10  }
0x94: {  	s11 =	sand.u32 $0x3FF00, s11;
	s12 =	sand.u32 $0x70, s14  }
0x95: {  	s11 =	sor.u32 s12, s11;
	[tilespmem:v2+s5+$0x0] =	vst.idx.add.f32.msk $0xffff, v1  }
0x96: {  	v2 =	vld [tilespmem:s11+$0x80];
	_ =	sdelay $0x2  }
0x97: {  	p0 =	sne.s32 s9, $0x9B00  }
.Ltmp1:
0x98: {  	_ = 	snop;
	(pc) =	sbr.rel @p0 .LBB2_4-.Ltmp1, $2  }
0x99: {  	_ =	sdelay $0x2  }
0x9a: {  	s9 =	sadd.s32 $0x140, s9;
	s10 =	sadd.s32 $0xA0, s10;
	[tilespmem:v2+s5+$0x0] =	vst.idx.add.f32.msk $0xffff, v1  }
0x9b: {  	_ =	strace $0x90000049  }
0x9c: {  	s9 =	simm.s32 $0xC480;
	_ =	strace $0x8000004A  }
0x9d: {  	s11 =	simm.s32 $0x80;
	s12 =	simm.s32 $0x400;
	s10 =	rddreg [dreg:$0xa]  }
0x9e: {  	[spmem:s10] =	stream.strided.scatter [tilespmem:s9], [sflag:$0x3], $0x2800, s12, s11, $0x200038;
	[tilespmem:$0x16680] =	vst v63  }
0x9f: {  	_ =	swait.ge [sflag:s6], $0x2800  }
0xa0: {  	[sflag:s6] =	ssyncset.done $0x0  }
0xa1: {  	[sflag:s6] =	ssyncadd.s32 $0xFFFFD800  }
0xa2: {  	s14 =	simm.s32 $0x11400;
	[bflag:$0x0] =	sbarrier.arrive $0xFFFF  }
0xa3: {  	[tilespmem:s14], [sflag:$0x1] =	stream.linear.gather [spmem:s7], $0x80, $0x200038;
	[tilespmem:$0x16680] =	vst v63  }
0xa4: {  	s11 =	rddreg [dreg:$0x1d]  }
0xa5: {  	s12 =	simm.s32 $0x11800;
	s13 =	rddreg [dreg:$0x1e]  }
0xa6: {  	[tilespmem:s12], [sflag:$0x1] =	stream.linear.gather [spmem:s11], $0x80, $0x200038;
	[tilespmem:$0x16680] =	vst v63  }
0xa7: {  	s14 =	simm.s32 $0x11C00;
	s11 =	rddreg [dreg:$0x1f]  }
0xa8: {  	[tilespmem:s14], [sflag:$0x1] =	stream.linear.gather [spmem:s13], $0x80, $0x200038;
	[tilespmem:$0x16680] =	vst v63  }
0xa9: {  	s12 =	simm.s32 $0x12000;
	s13 =	sld [smem:$0x7D3]  }
0xaa: {  	[tilespmem:s12], [sflag:$0x1] =	stream.linear.gather [spmem:s11], $0x80, $0x200038;
	[tilespmem:$0x16680] =	vst v63  }
0xab: {  	s14 =	simm.s32 $0x12400;
	s11 =	rddreg [dreg:$0xb]  }
0xac: {  	[tilespmem:s14], [sflag:$0x1] =	stream.linear.gather [spmem:s13], $0x80, $0x200038;
	[tilespmem:$0x16680] =	vst v63  }
0xad: {  	s12 =	simm.s32 $0x11480;
	s13 =	sld [smem:$0x7D4]  }
0xae: {  	[tilespmem:s12], [sflag:$0x1] =	stream.linear.gather [spmem:s11], $0x80, $0x200038;
	[tilespmem:$0x16680] =	vst v63  }
0xaf: {  	s14 =	simm.s32 $0x11880;
	s11 =	sld [smem:$0x7D5]  }
0xb0: {  	[tilespmem:s14], [sflag:$0x1] =	stream.linear.gather [spmem:s13], $0x80, $0x200038;
	[tilespmem:$0x16680] =	vst v63  }
0xb1: {  	s12 =	simm.s32 $0x11C80;
	s13 =	sld [smem:$0x7D6]  }
0xb2: {  	[tilespmem:s12], [sflag:$0x1] =	stream.linear.gather [spmem:s11], $0x80, $0x200038;
	[tilespmem:$0x16680] =	vst v63  }
0xb3: {  	s14 =	simm.s32 $0x12080;
	s11 =	sld [smem:$0x7D7]  }
0xb4: {  	[tilespmem:s14], [sflag:$0x1] =	stream.linear.gather [spmem:s13], $0x80, $0x200038;
	[tilespmem:$0x16680] =	vst v63  }
0xb5: {  	s12 =	simm.s32 $0x12480;
	s13 =	rddreg [dreg:$0xc]  }
0xb6: {  	[tilespmem:s12], [sflag:$0x1] =	stream.linear.gather [spmem:s11], $0x80, $0x200038;
	[tilespmem:$0x16680] =	vst v63  }
0xb7: {  	s14 =	simm.s32 $0x11500;
	s11 =	sld [smem:$0x7D8]  }
0xb8: {  	[tilespmem:s14], [sflag:$0x1] =	stream.linear.gather [spmem:s13], $0x80, $0x200038;
	[tilespmem:$0x16680] =	vst v63  }
0xb9: {  	s12 =	simm.s32 $0x11900;
	s13 =	sld [smem:$0x7D9]  }
0xba: {  	[tilespmem:s12], [sflag:$0x1] =	stream.linear.gather [spmem:s11], $0x80, $0x200038;
	[tilespmem:$0x16680] =	vst v63  }
0xbb: {  	s14 =	simm.s32 $0x11D00;
	s11 =	sld [smem:$0x7DA]  }
0xbc: {  	[tilespmem:s14], [sflag:$0x1] =	stream.linear.gather [spmem:s13], $0x80, $0x200038;
	[tilespmem:$0x16680] =	vst v63  }
0xbd: {  	s12 =	simm.s32 $0x12100;
	s13 =	sld [smem:$0x7DB]  }
0xbe: {  	[tilespmem:s12], [sflag:$0x1] =	stream.linear.gather [spmem:s11], $0x80, $0x200038;
	[tilespmem:$0x16680] =	vst v63  }
0xbf: {  	s14 =	simm.s32 $0x12500;
	s11 =	rddreg [dreg:$0xd]  }
0xc0: {  	[tilespmem:s14], [sflag:$0x1] =	stream.linear.gather [spmem:s13], $0x80, $0x200038;
	[tilespmem:$0x16680] =	vst v63  }
0xc1: {  	s12 =	simm.s32 $0x11580;
	s13 =	sld [smem:$0x7DC]  }
0xc2: {  	[tilespmem:s12], [sflag:$0x1] =	stream.linear.gather [spmem:s11], $0x80, $0x200038;
	[tilespmem:$0x16680] =	vst v63  }
0xc3: {  	s14 =	simm.s32 $0x11980;
	s11 =	sld [smem:$0x7DD]  }
0xc4: {  	[tilespmem:s14], [sflag:$0x1] =	stream.linear.gather [spmem:s13], $0x80, $0x200038;
	[tilespmem:$0x16680] =	vst v63  }
0xc5: {  	s12 =	simm.s32 $0x11D80;
	s13 =	sld [smem:$0x7DE]  }
0xc6: {  	[tilespmem:s12], [sflag:$0x1] =	stream.linear.gather [spmem:s11], $0x80, $0x200038;
	[tilespmem:$0x16680] =	vst v63  }
0xc7: {  	s14 =	simm.s32 $0x12180;
	s11 =	sld [smem:$0x7DF]  }
0xc8: {  	[tilespmem:s14], [sflag:$0x1] =	stream.linear.gather [spmem:s13], $0x80, $0x200038;
	[tilespmem:$0x16680] =	vst v63  }
0xc9: {  	s12 =	simm.s32 $0x12580;
	s13 =	rddreg [dreg:$0xe]  }
0xca: {  	[tilespmem:s12], [sflag:$0x1] =	stream.linear.gather [spmem:s11], $0x80, $0x200038;
	[tilespmem:$0x16680] =	vst v63  }
0xcb: {  	s14 =	simm.s32 $0x11600;
	s11 =	sld [smem:$0x7E0]  }
0xcc: {  	[tilespmem:s14], [sflag:$0x1] =	stream.linear.gather [spmem:s13], $0x80, $0x200038;
	[tilespmem:$0x16680] =	vst v63  }
0xcd: {  	s12 =	simm.s32 $0x11A00;
	s13 =	sld [smem:$0x7E1]  }
0xce: {  	[tilespmem:s12], [sflag:$0x1] =	stream.linear.gather [spmem:s11], $0x80, $0x200038;
	[tilespmem:$0x16680] =	vst v63  }
0xcf: {  	s14 =	simm.s32 $0x11E00;
	s11 =	sld [smem:$0x7E2]  }
0xd0: {  	[tilespmem:s14], [sflag:$0x1] =	stream.linear.gather [spmem:s13], $0x80, $0x200038;
	[tilespmem:$0x16680] =	vst v63  }
0xd1: {  	s12 =	simm.s32 $0x12200;
	s13 =	sld [smem:$0x7E3]  }
0xd2: {  	[tilespmem:s12], [sflag:$0x1] =	stream.linear.gather [spmem:s11], $0x80, $0x200038;
	[tilespmem:$0x16680] =	vst v63  }
0xd3: {  	s14 =	simm.s32 $0x12600;
	s11 =	rddreg [dreg:$0xf]  }
0xd4: {  	[tilespmem:s14], [sflag:$0x1] =	stream.linear.gather [spmem:s13], $0x80, $0x200038;
	[tilespmem:$0x16680] =	vst v63  }
0xd5: {  	s12 =	simm.s32 $0x11680;
	s13 =	sld [smem:$0x7E4]  }
0xd6: {  	[tilespmem:s12], [sflag:$0x1] =	stream.linear.gather [spmem:s11], $0x80, $0x200038;
	[tilespmem:$0x16680] =	vst v63  }
0xd7: {  	s14 =	simm.s32 $0x11A80;
	s11 =	sld [smem:$0x7E5]  }
0xd8: {  	[tilespmem:s14], [sflag:$0x1] =	stream.linear.gather [spmem:s13], $0x80, $0x200038;
	[tilespmem:$0x16680] =	vst v63  }
0xd9: {  	s12 =	simm.s32 $0x11E80;
	s13 =	sld [smem:$0x7E6]  }
0xda: {  	[tilespmem:s12], [sflag:$0x1] =	stream.linear.gather [spmem:s11], $0x80, $0x200038;
	[tilespmem:$0x16680] =	vst v63  }
0xdb: {  	s14 =	simm.s32 $0x12280;
	s11 =	sld [smem:$0x7E7]  }
0xdc: {  	[tilespmem:s14], [sflag:$0x1] =	stream.linear.gather [spmem:s13], $0x80, $0x200038;
	[tilespmem:$0x16680] =	vst v63  }
0xdd: {  	s12 =	simm.s32 $0x12680;
	s13 =	rddreg [dreg:$0x10]  }
0xde: {  	[tilespmem:s12], [sflag:$0x1] =	stream.linear.gather [spmem:s11], $0x80, $0x200038;
	[tilespmem:$0x16680] =	vst v63  }
0xdf: {  	s14 =	simm.s32 $0x11700;
	s11 =	sld [smem:$0x7E8]  }
0xe0: {  	[tilespmem:s14], [sflag:$0x1] =	stream.linear.gather [spmem:s13], $0x80, $0x200038;
	[tilespmem:$0x16680] =	vst v63  }
0xe1: {  	s12 =	simm.s32 $0x11B00;
	s13 =	sld [smem:$0x7E9]  }
0xe2: {  	[tilespmem:s12], [sflag:$0x1] =	stream.linear.gather [spmem:s11], $0x80, $0x200038;
	[tilespmem:$0x16680] =	vst v63  }
0xe3: {  	s14 =	simm.s32 $0x11F00;
	s11 =	sld [smem:$0x7EA]  }
0xe4: {  	[tilespmem:s14], [sflag:$0x1] =	stream.linear.gather [spmem:s13], $0x80, $0x200038;
	[tilespmem:$0x16680] =	vst v63  }
0xe5: {  	s12 =	simm.s32 $0x12300;
	s13 =	sld [smem:$0x7EB]  }
0xe6: {  	[tilespmem:s12], [sflag:$0x1] =	stream.linear.gather [spmem:s11], $0x80, $0x200038;
	[tilespmem:$0x16680] =	vst v63  }
0xe7: {  	s14 =	simm.s32 $0x12700;
	s11 =	rddreg [dreg:$0x11]  }
0xe8: {  	[tilespmem:s14], [sflag:$0x1] =	stream.linear.gather [spmem:s13], $0x80, $0x200038;
	[tilespmem:$0x16680] =	vst v63  }
0xe9: {  	s12 =	simm.s32 $0x11780;
	s13 =	sld [smem:$0x7EC]  }
0xea: {  	[tilespmem:s12], [sflag:$0x1] =	stream.linear.gather [spmem:s11], $0x80, $0x200038;
	[tilespmem:$0x16680] =	vst v63  }
0xeb: {  	s14 =	simm.s32 $0x11B80;
	s11 =	sld [smem:$0x7ED]  }
0xec: {  	[tilespmem:s14], [sflag:$0x1] =	stream.linear.gather [spmem:s13], $0x80, $0x200038;
	[tilespmem:$0x16680] =	vst v63  }
0xed: {  	s12 =	simm.s32 $0x11F80;
	s13 =	sld [smem:$0x7EE]  }
0xee: {  	[tilespmem:s12], [sflag:$0x1] =	stream.linear.gather [spmem:s11], $0x80, $0x200038;
	[tilespmem:$0x16680] =	vst v63  }
0xef: {  	s14 =	simm.s32 $0x12380;
	s11 =	sld [smem:$0x7EF]  }
0xf0: {  	[tilespmem:s14], [sflag:$0x1] =	stream.linear.gather [spmem:s13], $0x80, $0x200038;
	[tilespmem:$0x16680] =	vst v63  }
0xf1: {  	s12 =	simm.s32 $0x12780;
	s13 =	rddreg [dreg:$0x12]  }
0xf2: {  	[tilespmem:s12], [sflag:$0x1] =	stream.linear.gather [spmem:s11], $0x80, $0x200038;
	[tilespmem:$0x16680] =	vst v63  }
0xf3: {  	s14 =	simm.s32 $0x12800;
	s11 =	sld [smem:$0x7F0]  }
0xf4: {  	[tilespmem:s14], [sflag:$0x1] =	stream.linear.gather [spmem:s13], $0x80, $0x200038;
	[tilespmem:$0x16680] =	vst v63  }
0xf5: {  	s12 =	simm.s32 $0x12C00;
	s13 =	sld [smem:$0x7F1]  }
0xf6: {  	[tilespmem:s12], [sflag:$0x1] =	stream.linear.gather [spmem:s11], $0x80, $0x200038;
	[tilespmem:$0x16680] =	vst v63  }
0xf7: {  	s14 =	simm.s32 $0x13000;
	s11 =	sld [smem:$0x7F2]  }
0xf8: {  	[tilespmem:s14], [sflag:$0x1] =	stream.linear.gather [spmem:s13], $0x80, $0x200038;
	[tilespmem:$0x16680] =	vst v63  }
0xf9: {  	s12 =	simm.s32 $0x13400;
	s13 =	sld [smem:$0x7F3]  }
0xfa: {  	[tilespmem:s12], [sflag:$0x1] =	stream.linear.gather [spmem:s11], $0x80, $0x200038;
	[tilespmem:$0x16680] =	vst v63  }
0xfb: {  	s14 =	simm.s32 $0x13800;
	s11 =	rddreg [dreg:$0x13]  }
0xfc: {  	[tilespmem:s14], [sflag:$0x1] =	stream.linear.gather [spmem:s13], $0x80, $0x200038;
	[tilespmem:$0x16680] =	vst v63  }
0xfd: {  	s12 =	simm.s32 $0x12880;
	s13 =	sld [smem:$0x7F4]  }
0xfe: {  	[tilespmem:s12], [sflag:$0x1] =	stream.linear.gather [spmem:s11], $0x80, $0x200038;
	[tilespmem:$0x16680] =	vst v63  }
0xff: {  	s14 =	simm.s32 $0x12C80;
	s11 =	sld [smem:$0x7F5]  }
0x100: {  	[tilespmem:s14], [sflag:$0x1] =	stream.linear.gather [spmem:s13], $0x80, $0x200038;
	[tilespmem:$0x16680] =	vst v63  }
0x101: {  	s12 =	simm.s32 $0x13080;
	s13 =	sld [smem:$0x7F6]  }
0x102: {  	[tilespmem:s12], [sflag:$0x1] =	stream.linear.gather [spmem:s11], $0x80, $0x200038;
	[tilespmem:$0x16680] =	vst v63  }
0x103: {  	s14 =	simm.s32 $0x13480;
	s11 =	sld [smem:$0x7F7]  }
0x104: {  	[tilespmem:s14], [sflag:$0x1] =	stream.linear.gather [spmem:s13], $0x80, $0x200038;
	[tilespmem:$0x16680] =	vst v63  }
0x105: {  	s12 =	simm.s32 $0x13880;
	s13 =	rddreg [dreg:$0x14]  }
0x106: {  	[tilespmem:s12], [sflag:$0x1] =	stream.linear.gather [spmem:s11], $0x80, $0x200038;
	[tilespmem:$0x16680] =	vst v63  }
0x107: {  	s14 =	simm.s32 $0x12900;
	s11 =	sld [smem:$0x7F8]  }
0x108: {  	[tilespmem:s14], [sflag:$0x1] =	stream.linear.gather [spmem:s13], $0x80, $0x200038;
	[tilespmem:$0x16680] =	vst v63  }
0x109: {  	s12 =	simm.s32 $0x12D00;
	s13 =	sld [smem:$0x7F9]  }
0x10a: {  	[tilespmem:s12], [sflag:$0x1] =	stream.linear.gather [spmem:s11], $0x80, $0x200038;
	[tilespmem:$0x16680] =	vst v63  }
0x10b: {  	s14 =	simm.s32 $0x13100;
	s11 =	sld [smem:$0x7FA]  }
0x10c: {  	[tilespmem:s14], [sflag:$0x1] =	stream.linear.gather [spmem:s13], $0x80, $0x200038;
	[tilespmem:$0x16680] =	vst v63  }
0x10d: {  	s12 =	simm.s32 $0x13500;
	s13 =	sld [smem:$0x7FB]  }
0x10e: {  	[tilespmem:s12], [sflag:$0x1] =	stream.linear.gather [spmem:s11], $0x80, $0x200038;
	[tilespmem:$0x16680] =	vst v63  }
0x10f: {  	s14 =	simm.s32 $0x13900;
	s11 =	rddreg [dreg:$0x15]  }
0x110: {  	[tilespmem:s14], [sflag:$0x1] =	stream.linear.gather [spmem:s13], $0x80, $0x200038;
	[tilespmem:$0x16680] =	vst v63  }
0x111: {  	s12 =	simm.s32 $0x12980;
	s13 =	sld [smem:$0x7FC]  }
0x112: {  	[tilespmem:s12], [sflag:$0x1] =	stream.linear.gather [spmem:s11], $0x80, $0x200038;
	[tilespmem:$0x16680] =	vst v63  }
0x113: {  	s14 =	simm.s32 $0x12D80;
	s11 =	sld [smem:$0x7FD]  }
0x114: {  	[tilespmem:s14], [sflag:$0x1] =	stream.linear.gather [spmem:s13], $0x80, $0x200038;
	[tilespmem:$0x16680] =	vst v63  }
0x115: {  	s12 =	simm.s32 $0x13180  }
0x116: {  	[tilespmem:s12], [sflag:$0x1] =	stream.linear.gather [spmem:s11], $0x80, $0x200038;
	[tilespmem:$0x16680] =	vst v63  }
0x117: {  	s13 =	simm.s32 $0x13580  }
0x118: {  	[tilespmem:s13], [sflag:$0x1] =	stream.linear.gather [spmem:s15], $0x80, $0x200038;
	[tilespmem:$0x16680] =	vst v63  }
0x119: {  	s14 =	simm.s32 $0x13980  }
0x11a: {  	[tilespmem:s14], [sflag:$0x1] =	stream.linear.gather [spmem:s16], $0x80, $0x200038;
	[tilespmem:$0x16680] =	vst v63  }
0x11b: {  	s11 =	rddreg [dreg:$0x16];
	s12 =	simm.s32 $0x12A00  }
0x11c: {  	[tilespmem:s12], [sflag:$0x1] =	stream.linear.gather [spmem:s11], $0x80, $0x200038;
	[tilespmem:$0x16680] =	vst v63  }
0x11d: {  	s13 =	simm.s32 $0x12E00  }
0x11e: {  	[tilespmem:s13], [sflag:$0x1] =	stream.linear.gather [spmem:s17], $0x80, $0x200038;
	[tilespmem:$0x16680] =	vst v63  }
0x11f: {  	s14 =	simm.s32 $0x13200  }
0x120: {  	[tilespmem:s14], [sflag:$0x1] =	stream.linear.gather [spmem:s18], $0x80, $0x200038;
	[tilespmem:$0x16680] =	vst v63  }
0x121: {  	s11 =	simm.s32 $0x13600  }
0x122: {  	[tilespmem:s11], [sflag:$0x1] =	stream.linear.gather [spmem:s19], $0x80, $0x200038;
	[tilespmem:$0x16680] =	vst v63  }
0x123: {  	s12 =	simm.s32 $0x13A00  }
0x124: {  	[tilespmem:s12], [sflag:$0x1] =	stream.linear.gather [spmem:s20], $0x80, $0x200038;
	[tilespmem:$0x16680] =	vst v63  }
0x125: {  	s13 =	rddreg [dreg:$0x18];
	s14 =	simm.s32 $0x12A80  }
0x126: {  	[tilespmem:s14], [sflag:$0x1] =	stream.linear.gather [spmem:s13], $0x80, $0x200038;
	[tilespmem:$0x16680] =	vst v63  }
0x127: {  	s11 =	simm.s32 $0x12E80  }
0x128: {  	[tilespmem:s11], [sflag:$0x1] =	stream.linear.gather [spmem:s21], $0x80, $0x200038;
	[tilespmem:$0x16680] =	vst v63  }
0x129: {  	s12 =	simm.s32 $0x13280  }
0x12a: {  	[tilespmem:s12], [sflag:$0x1] =	stream.linear.gather [spmem:s22], $0x80, $0x200038;
	[tilespmem:$0x16680] =	vst v63  }
0x12b: {  	s13 =	simm.s32 $0x13680  }
0x12c: {  	[tilespmem:s13], [sflag:$0x1] =	stream.linear.gather [spmem:s23], $0x80, $0x200038;
	[tilespmem:$0x16680] =	vst v63  }
0x12d: {  	s14 =	simm.s32 $0x13A80  }
0x12e: {  	[tilespmem:s14], [sflag:$0x1] =	stream.linear.gather [spmem:s24], $0x80, $0x200038;
	[tilespmem:$0x16680] =	vst v63  }
0x12f: {  	s11 =	rddreg [dreg:$0x19];
	s12 =	simm.s32 $0x12B00  }
0x130: {  	[tilespmem:s12], [sflag:$0x1] =	stream.linear.gather [spmem:s11], $0x80, $0x200038;
	[tilespmem:$0x16680] =	vst v63  }
0x131: {  	s13 =	simm.s32 $0x12F00  }
0x132: {  	[tilespmem:s13], [sflag:$0x1] =	stream.linear.gather [spmem:s25], $0x80, $0x200038;
	[tilespmem:$0x16680] =	vst v63  }
0x133: {  	s14 =	simm.s32 $0x13300  }
0x134: {  	[tilespmem:s14], [sflag:$0x1] =	stream.linear.gather [spmem:s26], $0x80, $0x200038;
	[tilespmem:$0x16680] =	vst v63  }
0x135: {  	s11 =	simm.s32 $0x13700  }
0x136: {  	[tilespmem:s11], [sflag:$0x1] =	stream.linear.gather [spmem:s28], $0x80, $0x200038;
	[tilespmem:$0x16680] =	vst v63  }
0x137: {  	s12 =	simm.s32 $0x13B00  }
0x138: {  	[tilespmem:s12], [sflag:$0x1] =	stream.linear.gather [spmem:s29], $0x80, $0x200038;
	[tilespmem:$0x16680] =	vst v63  }
0x139: {  	s13 =	rddreg [dreg:$0x1c];
	s14 =	simm.s32 $0x12B80  }
0x13a: {  	[tilespmem:s14], [sflag:$0x1] =	stream.linear.gather [spmem:s13], $0x80, $0x200038;
	[tilespmem:$0x16680] =	vst v63  }
0x13b: {  	s11 =	simm.s32 $0x12F80  }
0x13c: {  	[tilespmem:s11], [sflag:$0x1] =	stream.linear.gather [spmem:s30], $0x80, $0x200038;
	[tilespmem:$0x16680] =	vst v63  }
0x13d: {  	s12 =	simm.s32 $0x13380  }
0x13e: {  	[tilespmem:s12], [sflag:$0x1] =	stream.linear.gather [spmem:s31], $0x80, $0x200038;
	[tilespmem:$0x16680] =	vst v63  }
0x13f: {  	s13 =	simm.s32 $0x13780  }
0x140: {  	[tilespmem:s13], [sflag:$0x1] =	stream.linear.gather [spmem:s0], $0x80, $0x200038;
	[tilespmem:$0x16680] =	vst v63  }
0x141: {  	s14 =	simm.s32 $0x13B80  }
0x142: {  	[tilespmem:s14], [sflag:$0x1] =	stream.linear.gather [spmem:s1], $0x80, $0x200038;
	[tilespmem:$0x16680] =	vst v63  }
0x143: {  	_ =	swait.ge [sflag:s2], $0x280  }
0x144: {  	[sflag:s2] =	ssyncset.done $0x0  }
0x145: {  	[sflag:s2] =	ssyncadd.s32 $0xFFFFFD80  }
0x146: {  	_ =	swait.ge [sflag:s2], $0x280  }
0x147: {  	[sflag:s2] =	ssyncset.done $0x0  }
0x148: {  	[sflag:s2] =	ssyncadd.s32 $0xFFFFFD80  }
0x149: {  	_ =	swait.ge [sflag:s2], $0x280  }
0x14a: {  	[sflag:s2] =	ssyncset.done $0x0  }
0x14b: {  	[sflag:s2] =	ssyncadd.s32 $0xFFFFFD80  }
0x14c: {  	_ =	swait.ge [sflag:s2], $0x280  }
0x14d: {  	[sflag:s2] =	ssyncset.done $0x0  }
0x14e: {  	[sflag:s2] =	ssyncadd.s32 $0xFFFFFD80  }
0x14f: {  	_ =	swait.ge [sflag:s2], $0x280  }
0x150: {  	[sflag:s2] =	ssyncset.done $0x0  }
0x151: {  	[sflag:s2] =	ssyncadd.s32 $0xFFFFFD80  }
0x152: {  	_ =	swait.ge [sflag:s2], $0x280  }
0x153: {  	[sflag:s2] =	ssyncset.done $0x0  }
0x154: {  	[sflag:s2] =	ssyncadd.s32 $0xFFFFFD80  }
0x155: {  	_ =	swait.ge [sflag:s2], $0x280  }
0x156: {  	[sflag:s2] =	ssyncset.done $0x0  }
0x157: {  	[sflag:s2] =	ssyncadd.s32 $0xFFFFFD80  }
0x158: {  	_ =	swait.ge [sflag:s2], $0x280  }
0x159: {  	[sflag:s2] =	ssyncset.done $0x0  }
0x15a: {  	[sflag:s2] =	ssyncadd.s32 $0xFFFFFD80  }
0x15b: {  	_ =	swait.ge [sflag:s2], $0x280  }
0x15c: {  	[sflag:s2] =	ssyncset.done $0x0  }
0x15d: {  	[sflag:s2] =	ssyncadd.s32 $0xFFFFFD80  }
0x15e: {  	_ =	swait.ge [sflag:s2], $0x280  }
0x15f: {  	[sflag:s2] =	ssyncset.done $0x0  }
0x160: {  	[sflag:s2] =	ssyncadd.s32 $0xFFFFFD80  }
0x161: {  	_ =	swait.ge [sflag:s2], $0x280  }
0x162: {  	[sflag:s2] =	ssyncset.done $0x0  }
0x163: {  	[sflag:s2] =	ssyncadd.s32 $0xFFFFFD80  }
0x164: {  	_ =	swait.ge [sflag:s2], $0x280  }
0x165: {  	[sflag:s2] =	ssyncset.done $0x0  }
0x166: {  	[sflag:s2] =	ssyncadd.s32 $0xFFFFFD80  }
0x167: {  	_ =	swait.ge [sflag:s2], $0x280  }
0x168: {  	[sflag:s2] =	ssyncset.done $0x0  }
0x169: {  	[sflag:s2] =	ssyncadd.s32 $0xFFFFFD80  }
0x16a: {  	_ =	swait.ge [sflag:s2], $0x280  }
0x16b: {  	[sflag:s2] =	ssyncset.done $0x0  }
0x16c: {  	[sflag:s2] =	ssyncadd.s32 $0xFFFFFD80  }
0x16d: {  	_ =	swait.ge [sflag:s2], $0x280  }
0x16e: {  	[sflag:s2] =	ssyncset.done $0x0  }
0x16f: {  	s11 =	simm.s32 $0x0;
	[sflag:s2] =	ssyncadd.s32 $0xFFFFFD80  }
0x170: {  	s10 =	sand.u32 $0x1C00, s11;
	s12 =	sand.u32 $0x70, s11;
	_ =	swait.ge [sflag:s2], $0x280  }
0x171: {  	s10 =	sor.u32 s12, s10;
	[sflag:s2] =	ssyncset.done $0x0  }
0x172: {  	s11 =	sadd.s32 $0x11400, s10;
	[sflag:s2] =	ssyncadd.s32 $0xFFFFFD80  }
0x173: {  	v2 =	vld [tilespmem:s11+$0x80]  }
0x174: {  	v3 =	vld [tilespmem:s10+$0x11400];
	_ =	sdelay $0x1  }
0x175: {  	v4 =	vld [tilespmem:s11+$0x100];
	_ =	sdelay $0x1  }
0x176: {  	v5 =	vld [tilespmem:s11+$0x180]  }
0x177: {  	v2 =	vadd.f32 v2, v3  }
0x178: {  	v3 =	vld [tilespmem:s11+$0x200]  }
0x179: {  	v2 =	vadd.f32 v4, v2  }
0x17a: {  	v56 =	vld [tilespmem:s11+$0x280]  }
0x17b: {  	v2 =	vadd.f32 v5, v2  }
0x17c: {  	v57 =	vld [tilespmem:s11+$0x300]  }
0x17d: {  	v2 =	vadd.f32 v3, v2  }
0x17e: {  	v3 =	vld [tilespmem:s11+$0x380]  }
0x17f: {  	v2 =	vadd.f32 v56, v2  }
0x180: {  	v58 =	vld [tilespmem:s10+$0x12800]  }
0x181: {  	v2 =	vadd.f32 v57, v2  }
0x182: {  	v59 =	vld [tilespmem:s10+$0x12880]  }
0x183: {  	v2 =	vadd.f32 v3, v2  }
0x184: {  	v3 =	vld [tilespmem:s10+$0x12900]  }
0x185: {  	v2 =	vadd.f32 v58, v2  }
0x186: {  	v60 =	vld [tilespmem:s10+$0x12980]  }
0x187: {  	v2 =	vadd.f32 v59, v2  }
0x188: {  	v61 =	vld [tilespmem:s10+$0x12A00]  }
0x189: {  	v2 =	vadd.f32 v3, v2  }
0x18a: {  	v3 =	vld [tilespmem:s10+$0x12A80]  }
0x18b: {  	v2 =	vadd.f32 v60, v2  }
0x18c: {  	v62 =	vld [tilespmem:s10+$0x12B00]  }
0x18d: {  	v2 =	vadd.f32 v61, v2  }
0x18e: {  	v63 =	vld [tilespmem:s10+$0x12B80]  }
0x18f: {  	v2 =	vadd.f32 v3, v2;
	_ =	sdelay $0x1  }
0x190: {  	v2 =	vadd.f32 v62, v2  }
0x191: {  	s13 =	simm.s32 $0x10;
	s11 =	simm.s32 $0x80  }
0x192: {  	s14 =	sand.u32 $0x1C00, s11;
	s10 =	sand.u32 $0x70, s13;
	v2 =	vadd.f32 v63, v2  }
0x193: {  	s12 =	simm.s32 $0x20;
	s10 =	sor.u32 s10, s14  }
.LBB2_6:
0x194: {  	p0 =	sne.s32 s12, $0x270;
	s13 =	sadd.s32 $0x11400, s10;
	[tilespmem:s9+$0x0] =	vst v2  }
0x195: {  	v2 =	vld [tilespmem:s13+$0x80]  }
0x196: {  	v3 =	vld [tilespmem:s10+$0x11400];
	_ =	sdelay $0x1  }
0x197: {  	v4 =	vld [tilespmem:s13+$0x100];
	_ =	sdelay $0x1  }
0x198: {  	v5 =	vld [tilespmem:s13+$0x180]  }
0x199: {  	v2 =	vadd.f32 v2, v3  }
0x19a: {  	v3 =	vld [tilespmem:s13+$0x200]  }
0x19b: {  	v2 =	vadd.f32 v4, v2  }
0x19c: {  	v4 =	vld [tilespmem:s13+$0x280]  }
0x19d: {  	v2 =	vadd.f32 v5, v2  }
0x19e: {  	v5 =	vld [tilespmem:s13+$0x300]  }
0x19f: {  	v2 =	vadd.f32 v3, v2  }
0x1a0: {  	v3 =	vld [tilespmem:s13+$0x380]  }
0x1a1: {  	v2 =	vadd.f32 v4, v2  }
0x1a2: {  	v4 =	vld [tilespmem:s10+$0x12800]  }
0x1a3: {  	v2 =	vadd.f32 v5, v2  }
0x1a4: {  	v5 =	vld [tilespmem:s10+$0x12880]  }
0x1a5: {  	v2 =	vadd.f32 v3, v2  }
0x1a6: {  	v3 =	vld [tilespmem:s10+$0x12900]  }
0x1a7: {  	v2 =	vadd.f32 v4, v2  }
0x1a8: {  	v4 =	vld [tilespmem:s10+$0x12980]  }
0x1a9: {  	v2 =	vadd.f32 v5, v2  }
0x1aa: {  	v5 =	vld [tilespmem:s10+$0x12A00]  }
0x1ab: {  	v2 =	vadd.f32 v3, v2  }
0x1ac: {  	v3 =	vld [tilespmem:s10+$0x12A80]  }
0x1ad: {  	v2 =	vadd.f32 v4, v2  }
0x1ae: {  	v4 =	vld [tilespmem:s10+$0x12B00]  }
0x1af: {  	v2 =	vadd.f32 v5, v2  }
0x1b0: {  	v5 =	vld [tilespmem:s10+$0x12B80]  }
0x1b1: {  	v2 =	vadd.f32 v3, v2  }
.Ltmp2:
0x1b2: {  	(pc) =	sbr.rel @p0 .LBB2_6-.Ltmp2, $4  }
0x1b3: {  	v2 =	vadd.f32 v4, v2  }
0x1b4: {  	s11 =	sadd.s32 $0x80, s11  }
0x1b5: {  	s13 =	sand.u32 $0x1C00, s11;
	s10 =	sand.u32 $0x70, s12;
	v2 =	vadd.f32 v5, v2  }
0x1b6: {  	s9 =	sadd.s32 $0x10, s9;
	s12 =	sadd.s32 $0x10, s12;
	s10 =	sor.u32 s10, s13  }
0x1b7: {  	s11 =	sadd.s32 $0x11400, s10;
	[tilespmem:s9+$0x0] =	vst v2  }
0x1b8: {  	v2 =	vld [tilespmem:s11+$0x80]  }
0x1b9: {  	v3 =	vld [tilespmem:s10+$0x11400];
	_ =	sdelay $0x1  }
0x1ba: {  	v4 =	vld [tilespmem:s11+$0x100];
	_ =	sdelay $0x1  }
0x1bb: {  	v5 =	vld [tilespmem:s11+$0x180]  }
0x1bc: {  	v2 =	vadd.f32 v2, v3  }
0x1bd: {  	v3 =	vld [tilespmem:s11+$0x200]  }
0x1be: {  	v2 =	vadd.f32 v4, v2  }
0x1bf: {  	v4 =	vld [tilespmem:s11+$0x280]  }
0x1c0: {  	v2 =	vadd.f32 v5, v2  }
0x1c1: {  	v5 =	vld [tilespmem:s11+$0x300]  }
0x1c2: {  	v2 =	vadd.f32 v3, v2  }
0x1c3: {  	v3 =	vld [tilespmem:s11+$0x380]  }
0x1c4: {  	v2 =	vadd.f32 v4, v2  }
0x1c5: {  	v4 =	vld [tilespmem:s10+$0x12800]  }
0x1c6: {  	v2 =	vadd.f32 v5, v2  }
0x1c7: {  	v5 =	vld [tilespmem:s10+$0x12880]  }
0x1c8: {  	v2 =	vadd.f32 v3, v2  }
0x1c9: {  	v3 =	vld [tilespmem:s10+$0x12900]  }
0x1ca: {  	v2 =	vadd.f32 v4, v2  }
0x1cb: {  	v4 =	vld [tilespmem:s10+$0x12980]  }
0x1cc: {  	v2 =	vadd.f32 v5, v2  }
0x1cd: {  	v5 =	vld [tilespmem:s10+$0x12A00]  }
0x1ce: {  	v2 =	vadd.f32 v3, v2  }
0x1cf: {  	v3 =	vld [tilespmem:s10+$0x12A80]  }
0x1d0: {  	v2 =	vadd.f32 v4, v2  }
0x1d1: {  	v4 =	vld [tilespmem:s10+$0x12B00]  }
0x1d2: {  	v2 =	vadd.f32 v5, v2  }
0x1d3: {  	v5 =	vld [tilespmem:s10+$0x12B80]  }
0x1d4: {  	v2 =	vadd.f32 v3, v2;
	_ =	sdelay $0x1  }
0x1d5: {  	v2 =	vadd.f32 v4, v2;
	_ =	sdelay $0x1  }
0x1d6: {  	v2 =	vadd.f32 v5, v2  }
0x1d7: {  	s12 =	sadd.s32 $0x10, s9  }
0x1d8: {  	s13 =	rddreg [dreg:$0x1a];
	[tilespmem:s12+$0x0] =	vst v2  }
0x1d9: {  	[spmem:s13] =	stream.linear.scatter [tilespmem:s5], [sflag:$0x3], $0x280, $0x200038;
	[tilespmem:$0x16680] =	vst v63  }
0x1da: {  	_ =	swait.ge [sflag:s6], $0x280  }
0x1db: {  	[sflag:s6] =	ssyncset.done $0x0  }
0x1dc: {  	[sflag:s6] =	ssyncadd.s32 $0xFFFFFD80  }
0x1dd: {  	[bflag:$0x0] =	sbarrier.arrive $0xFFFF  }
0x1de: {  	_ =	strace $0x9000004A  }
0x1df: {  	_ =	strace $0x8000004B  }
0x1e0: {  	s14 =	rddreg [dreg:$0x4]  }
0x1e1: {  	[tilespmem:s5], [sflag:$0x3] =	stream.linear.gather [spmem:s14], $0x2800, $0x200038;
	[tilespmem:$0x16680] =	vst v63  }
0x1e2: {  	_ =	swait.ge [sflag:s6], $0x2800  }
0x1e3: {  	[sflag:s6] =	ssyncset.done $0x0  }
0x1e4: {  	[sflag:s6] =	ssyncadd.s32 $0xFFFFD800  }
0x1e5: {  	_ =	swait.ge [sflag:s4], $0x2710  }
0x1e6: {  	[sflag:s4] =	ssyncset.done $0x0  }
0x1e7: {  	s9 =	simm.s32 $0x0;
	[sflag:s4] =	ssyncadd.s32 $0xFFFFD8F0  }
0x1e8: {  	v2 =	vld [tilespmem:s9+$0x9D00];
	_ =	sdelay $0x6  }
0x1e9: {  	v3 =	vld [tilespmem:s9+$0x9D10]  }
0x1ea: {  	v2 =	vld.idx.msk [tilespmem:v2+s5+$0x0], $0xffff;
	_ =	sdelay $0x4  }
0x1eb: {  	[tilespmem:s9+$0xEC80] =	vst v2;
	v2 =	vld [tilespmem:s9+$0x9D20];
	_ =	sdelay $0x1  }
0x1ec: {  	v3 =	vld.idx.msk [tilespmem:v3+s5+$0x0], $0xffff;
	_ =	sdelay $0x4  }
0x1ed: {  	[tilespmem:s9+$0xEC90] =	vst v3;
	v3 =	vld [tilespmem:s9+$0x9D30]  }
0x1ee: {  	v2 =	vld.idx.msk [tilespmem:v2+s5+$0x0], $0xffff;
	_ =	sdelay $0x4  }
0x1ef: {  	[tilespmem:s9+$0xECA0] =	vst v2;
	v2 =	vld [tilespmem:s9+$0x9D40];
	_ =	sdelay $0x1  }
0x1f0: {  	v3 =	vld.idx.msk [tilespmem:v3+s5+$0x0], $0xffff;
	_ =	sdelay $0x3  }
0x1f1: {  	s11 =	simm.s32 $0x50;
	s10 =	simm.s32 $0x280  }
.LBB2_8:
0x1f2: {  	p0 =	sne.s32 s10, $0x9B00;
	v4 =	vld [tilespmem:s11+$0x9D00];
	[tilespmem:s9+$0xECB0] =	vst v3  }
0x1f3: {  	v2 =	vld.idx.msk [tilespmem:v2+s5+$0x0], $0xffff;
	_ =	sdelay $0x5  }
0x1f4: {  	v3 =	vld [tilespmem:s11+$0x9D10];
	[tilespmem:s9+$0xECC0] =	vst v2;
	s9 =	smov.u32 s11  }
0x1f5: {  	v2 =	vld.idx.msk [tilespmem:v4+s5+$0x0], $0xffff;
	_ =	sdelay $0x5  }
0x1f6: {  	[tilespmem:s9+$0xEC80] =	vst v2;
	v2 =	vld [tilespmem:s9+$0x9D20]  }
0x1f7: {  	v3 =	vld.idx.msk [tilespmem:v3+s5+$0x0], $0xffff;
	_ =	sdelay $0x5  }
0x1f8: {  	[tilespmem:s9+$0xEC90] =	vst v3;
	v3 =	vld [tilespmem:s9+$0x9D30]  }
0x1f9: {  	v2 =	vld.idx.msk [tilespmem:v2+s5+$0x0], $0xffff;
	_ =	sdelay $0x5  }
0x1fa: {  	[tilespmem:s9+$0xECA0] =	vst v2;
	v2 =	vld [tilespmem:s9+$0x9D40]  }
0x1fb: {  	v3 =	vld.idx.msk [tilespmem:v3+s5+$0x0], $0xffff  }
.Ltmp3:
0x1fc: {  	(pc) =	sbr.rel @p0 .LBB2_8-.Ltmp3, $2  }
0x1fd: {  	_ =	sdelay $0x2  }
0x1fe: {  	s11 =	sshra.s32 s10, $0x2;
	s10 =	sadd.s32 $0x140, s10  }
0x1ff: {  	_ =	sdelay $0x1  }
0x200: {  	v4 =	vld [tilespmem:s11+$0x9D00]  }
0x201: {  	[tilespmem:s9+$0xECB0] =	vst v3  }
0x202: {  	v2 =	vld.idx.msk [tilespmem:v2+s5+$0x0], $0xffff;
	_ =	sdelay $0x4  }
0x203: {  	v3 =	vld [tilespmem:s11+$0x9D10];
	[tilespmem:s9+$0xECC0] =	vst v2  }
0x204: {  	v2 =	vld.idx.msk [tilespmem:v4+s5+$0x0], $0xffff;
	_ =	sdelay $0x4  }
0x205: {  	[tilespmem:s11+$0xEC80] =	vst v2;
	v2 =	vld [tilespmem:s11+$0x9D20];
	_ =	sdelay $0x1  }
0x206: {  	v3 =	vld.idx.msk [tilespmem:v3+s5+$0x0], $0xffff;
	_ =	sdelay $0x4  }
0x207: {  	[tilespmem:s11+$0xEC90] =	vst v3;
	v3 =	vld [tilespmem:s11+$0x9D30]  }
0x208: {  	v2 =	vld.idx.msk [tilespmem:v2+s5+$0x0], $0xffff;
	_ =	sdelay $0x4  }
0x209: {  	[tilespmem:s11+$0xECA0] =	vst v2;
	v2 =	vld [tilespmem:s11+$0x9D40];
	_ =	sdelay $0x1  }
0x20a: {  	v3 =	vld.idx.msk [tilespmem:v3+s5+$0x0], $0xffff;
	_ =	sdelay $0x4  }
0x20b: {  	[tilespmem:s11+$0xECB0] =	vst v3  }
0x20c: {  	v2 =	vld.idx.msk [tilespmem:v2+s5+$0x0], $0xffff;
	_ =	sdelay $0x4  }
0x20d: {  	s13 =	rddreg [dreg:$0x17];
	s10 =	simm.s32 $0xEC80;
	[tilespmem:s11+$0xECC0] =	vst v2  }
0x20e: {  	[hbm4b:s13+s3] =	stream.linear.scatter [tilespmem:s10], [sflag:$0x3], $0x2710, $0x200038;
	[tilespmem:$0x16680] =	vst v63  }
0x20f: {  	_ =	swait.ge [sflag:s6], $0x2710  }
0x210: {  	s8 =	sadd.s32 $0x1, s8;
	s14 =	rddreg [dreg:$0x1b]  }
0x211: {  	p0 =	sne.s32 s8, s14  }
.Ltmp4:
0x212: {  	_ = 	snop;
	(pc) =	sbr.rel @p0 .LBB2_1-.Ltmp4, $4  }
0x213: {  	_ = 	snop  }
0x214: {  	[sflag:s6] =	ssyncset.done $0x0  }
0x215: {  	[sflag:s6] =	ssyncadd.s32 $0xFFFFD8F0  }
0x216: {  	_ =	strace $0x9000004B  }
0x217: {  	_ =	sfence.sel $0x180000  }
0x218: {  	[bflag:$0x0] =	sbarrier.arrive $0xFFFF  }
0x219: {  	_ =	strace $0x90000047  }
0x21a: {  	s0 =	stileid.u32;
	[bflag:$0x2] =	sbarrier.arrive $0xFFFF  }
0x21b: {  	p0 =	sne.s32 s0, $0x0;
	s0 =	rddreg [dreg:$0x5]  }
0x21c: {  	s0 =	sadd.s32 @!p0 $0x100000, s0  }
0x21d: {  	[sflag:s0] =	ssyncadd.tile.s32 @!p0 $0x1;
	_ =	shalt  }
.Lfunc_end2:
_tile_overlayer_lowered:
.L_overlay_start_2:
0x21e: {  	(tag) =	ssettag $0x2  }
0x21f: {  	s0 =	rddreg [dreg:$0x0];
	s2 =	stileid.u32  }
0x220: {  	s1 =	rddreg [dreg:$0x1];
	p0 =	sne.s32 s2, $0x0  }
0x221: {  	s3 =	rddreg [dreg:$0x2];
	[bflag:$0x3] =	sbarrier.arrive $0xFFFF;
	s2 =	simm.s32 @!p0 $0x1C03  }
0x222: {  	[timem:s3], [sflag:s2] =	dma.local @!p0 [hbm:s0], s1  }
0x223: {  	s0 =	simm.s32 @!p0 $0x3  }
0x224: {  	_ =	swait.ge @!p0 [sflag:s0], s1  }
0x225: {  	s1 =	ssub.s32 @!p0 $0x0, s1;
	[sflag:s0] =	ssyncset.done @!p0 $0x0  }
0x226: {  	[sflag:s0] =	ssyncadd.s32 @!p0 s1  }
0x227: {  	[bflag:$0x3] =	sbarrier.arrive $0xFFFF  }
0x228: {  	_ =	shalt  }

</sc_bundles>
